<compile_context>
chip_gen: v7x
topology: tpu7x:2x2x1
jax: 0.10.2.dev20260603
libtpu: 0.0.44.dev20260713+nightly
codegen_flags: <defaults>
</compile_context>

<pallas_src>
import functools

import jax
import jax.numpy as jnp
from jax import lax
from jax.experimental import pallas as pl
from jax.experimental.pallas import tpu as pltpu
from jax.experimental.pallas import tpu_sc as plsc

_B = 4096
_F = 26
_D = 16
_BF = _B * _F
_NW = 32
_SPW = _B // _NW
_NCH = _F
_PER_W = _SPW * _F
_CV_ROWS = 1000000 // _D
_EPS = 1e-5
_NPAIRS = _F * (_F - 1) // 2

_W = 512
_BB = 512



def _sc_gather_body(idx_hbm, emb_hbm, cvw_hbm, out_e, out_c,
                    idx_v, idx4_v, ebuf, cbuf, sem_e, sem_c):
    wid = lax.axis_index("s") * 2 + lax.axis_index("c")
    pltpu.sync_copy(idx_hbm.at[wid], idx_v)

    @pl.loop(0, _NCH)
    def _shift(j):
        for u in range(8):
            w = idx_v[j, pl.ds(u * 16, 16)]
            idx4_v[j, pl.ds(u * 16, 16)] = lax.shift_right_logical(w, 4)

    @pl.loop(0, 2)
    def _gather(cix):
        hs = []
        for jj in range(13):
            j = cix * 13 + jj
            he = pltpu.async_copy(emb_hbm.at[idx_v.at[j]],
                                  ebuf.at[pl.ds(j * 128, 128)], sem_e)
            hc = pltpu.async_copy(cvw_hbm.at[idx4_v.at[j]],
                                  cbuf.at[pl.ds(j * 128, 128)], sem_c)
            hs.append((he, hc))
        for he, hc in hs:
            he.wait()
            hc.wait()

    rows = pl.ds(wid * _SPW, _SPW)
    @pl.loop(0, _NCH)
    def _writeback(j):
        cols = pl.ds(j * _D, _D)
        pltpu.sync_copy(ebuf.at[pl.ds(j * _SPW, _SPW)], out_e.at[rows, cols])
        pltpu.sync_copy(cbuf.at[pl.ds(j * _SPW, _SPW)], out_c.at[rows, cols])


@functools.lru_cache(maxsize=None)
def _make_sc_gather():
    return pl.kernel(
        _sc_gather_body,
        out_type=[jax.ShapeDtypeStruct((_B, _W), jnp.float32),
                  jax.ShapeDtypeStruct((_B, _W), jnp.float32)],
        mesh=plsc.VectorSubcoreMesh(core_axis_name="c", subcore_axis_name="s"),
        compiler_params=pltpu.CompilerParams(use_tc_tiling_on_sc=False),
        scratch_types=[
            pltpu.VMEM((_NCH, 128), jnp.int32),
            pltpu.VMEM((_NCH, 128), jnp.int32),
            pltpu.VMEM((_PER_W, _D), jnp.float32),
            pltpu.VMEM((_PER_W, _D), jnp.float32),
            pltpu.SemaphoreType.DMA,
            pltpu.SemaphoreType.DMA,
        ],
    )



def _tc_body(scal_ref, emb_ref, cblk_ref, feat_ref, out_ref):
    bias = scal_ref[0, 0]
    beta = scal_ref[0, 1]
    c = scal_ref[0, 2]

    T = emb_ref[:, :_F * _D].T
    TT = T.reshape(_F, _D, _BB)
    n = jnp.sum(TT * TT, axis=1)
    om = 1.0 - jnp.clip(n, 0.0, 1.0 - _EPS)

    acc = jnp.zeros((_F, _BB), jnp.float32)
    for s in range(1, _F // 2 + 1):
        rolled = jnp.concatenate([T[_D * s:], T[:_D * s]], axis=0)
        omr = jnp.concatenate([om[s:], om[:s]], axis=0)
        RT = rolled.reshape(_F, _D, _BB)
        d = TT - RT
        sqd = jnp.sum(d * d, axis=1)
        x = sqd / (om * omr) * 2.0 + 1.0
        z = jnp.sqrt(jnp.maximum(x * x - 1.0, 0.0))
        dist = jnp.log(x + z)
        acc = acc + (dist if s < _F // 2 else 0.5 * dist)
    pair_sum = jnp.sum(acc, axis=0)

    colT = (feat_ref[...] & 15).astype(jnp.float32).T
    CT = cblk_ref[:, :_F * _D].T.reshape(_F, _D, _BB)
    dmat = lax.broadcasted_iota(jnp.int32, (_F, _D, _BB), 1).astype(jnp.float32)
    picked = jnp.where(dmat == colT[:, None, :], CT, 0.0)
    lin = jnp.sum(jnp.sum(picked, axis=1), axis=0)

    out_ref[...] = beta * pair_sum + lin + (c * _NPAIRS + bias)


def _tc_compute(scal, emb_g, cblk, feats):
    return pl.pallas_call(
        _tc_body,
        grid=(_B // _BB,),
        in_specs=[
            pl.BlockSpec(memory_space=pltpu.SMEM),
            pl.BlockSpec((_BB, _W), lambda i: (i, 0)),
            pl.BlockSpec((_BB, _W), lambda i: (i, 0)),
            pl.BlockSpec((_BB, _F), lambda i: (i, 0)),
        ],
        out_specs=pl.BlockSpec((_BB,), lambda i: (i,)),
        out_shape=jax.ShapeDtypeStruct((_B,), jnp.float32),
    )(scal, emb_g, cblk, feats)



def kernel(features, emb_table, coeff_table, bias, beta, c):
    feats = features.astype(jnp.int32)
    idx3 = feats.reshape(_NW, _SPW, _F).transpose(0, 2, 1)
    cview = coeff_table.reshape(_CV_ROWS, _D)
    emb_g, cblk = _make_sc_gather()(idx3, emb_table, cview)
    scal = jnp.concatenate([bias, beta, c]).reshape(1, 3).astype(jnp.float32)
    return _tc_compute(scal, emb_g, cblk, feats)

# --- scband reference (transcript-rebuilt; emitter-appended) ---
"""Pipeline reference for scband-poincare-fm-15272903705276 (READ-ONLY COPY).

The authoritative reference and input builder live on the scoring server;
editing this copy changes nothing except your own understanding.
"""

import jax, jax.numpy as jnp
import numpy as np

N_FEATURES = 1000000
N_FIELDS = 26
EMBED_DIM = 16
BATCH = 4096


def setup_inputs(seed: int = 0) -> dict:
    key = jax.random.key(seed)
    k1, k2, k3, k4, k5, k6 = jax.random.split(key, 6)
    features = jax.random.randint(k1, (BATCH, N_FIELDS), 0, N_FEATURES)
    emb_table = jax.random.uniform(k2, (N_FEATURES, EMBED_DIM), minval=-0.001, maxval=0.001, dtype=jnp.float32)
    coeff_table = jax.random.normal(k3, (N_FEATURES, 1), dtype=jnp.float32) * 0.001
    bias = jax.random.normal(k4, (1,), dtype=jnp.float32) * 0.01
    beta = jax.random.normal(k5, (1,), dtype=jnp.float32) * 0.1
    c = jax.random.normal(k6, (1,), dtype=jnp.float32) * 0.1
    return {"features": features, "emb_table": emb_table, "coeff_table": coeff_table, "bias": bias, "beta": beta, "c": c}


def poincare_distance(u, v, eps=1e-5):
    squ = jnp.clip(jnp.sum(u * u, axis=-1), 0.0, 1.0 - eps)
    sqv = jnp.clip(jnp.sum(v * v, axis=-1), 0.0, 1.0 - eps)
    sqd = jnp.sum((u - v) ** 2, axis=-1)
    x = sqd / ((1.0 - squ) * (1.0 - sqv)) * 2.0 + 1.0
    z = jnp.sqrt(x * x - 1.0)
    return jnp.log(x + z)


def reference(features, emb_table, coeff_table, bias, beta, c):
    # Embedding gathers (SparseCore-friendly)
    emb = jnp.take(emb_table, features, axis=0)      # [B, F, D]
    coeff = jnp.take(coeff_table, features, axis=0)  # [B, F, 1]
    # Pairwise hyperbolic distances over all field pairs (i < j), i-major order
    ii, jj = np.triu_indices(N_FIELDS, k=1)
    dist = poincare_distance(emb[:, ii, :], emb[:, jj, :])  # [B, F*(F-1)//2]
    # matching_layer == 'linear'
    interactions = beta * dist + c
    interaction_part = jnp.sum(interactions, axis=1)
    linear_part = jnp.sum(coeff, axis=1).reshape(-1)
    return interaction_part + linear_part + bias

if __name__ == "__main__":
    import jax
    _d = setup_inputs()
    print(jax.jit(kernel)(*tuple(_d.values())))

</pallas_src>

<mosaic_0001>
#map = affine_map<(d0, d1) -> (0, 0, 0)>
#map1 = affine_map<(d0, d1) -> (0, 0)>
module attributes {stable_mosaic.version = 14 : i64} {
  func.func @_sc_gather_body(%arg0: i32, %arg1: i32, %arg2: memref<32x26x128xi32, #tpu.memory_space<hbm>>, %arg3: memref<1000000x16xf32, #tpu.memory_space<hbm>>, %arg4: memref<62500x16xf32, #tpu.memory_space<hbm>>, %arg5: memref<4096x512xf32, #tpu.memory_space<hbm>>, %arg6: memref<4096x512xf32, #tpu.memory_space<hbm>>, %arg7: memref<26x128xi32, #tpu.memory_space<vmem>>, %arg8: memref<26x128xi32, #tpu.memory_space<vmem>>, %arg9: memref<3328x16xf32, #tpu.memory_space<vmem>>, %arg10: memref<3328x16xf32, #tpu.memory_space<vmem>>, %arg11: memref<!tpu.dma_semaphore, #tpu.memory_space<semaphore_mem>>, %arg12: memref<!tpu.dma_semaphore, #tpu.memory_space<semaphore_mem>>) attributes {dimension_semantics = [#tpu.dimension_semantics<core_parallel>, #tpu.dimension_semantics<subcore_parallel>], iteration_bounds = array<i64: 2, 16>, scalar_prefetch = 0 : i64, scratch_operands = 6 : i64, tpu.core_type = #tpu.core_type<sc_vector_subcore>, window_params = [{transform_indices = #map}, {transform_indices = #map1}, {transform_indices = #map1}, {transform_indices = #map1}, {transform_indices = #map1}]} {
    %mul3A = arith.constant 2 : i32
    %mul3A_0 = arith.muli %arg1, %mul3A : i32
    %add3A = arith.addi %mul3A_0, %arg0 : i32
    "tpu.region"() ({
      %run_scoped3A = tpu.sem_alloc : memref<!tpu.dma_semaphore, #tpu.memory_space<semaphore_mem>>
      %dma_start3A = arith.constant 0 : i32
      %dma_start3A_17 = arith.constant 0 : i32
      %dma_start3A_18 = tpu.memref_slice %arg2[%add3A, %dma_start3A, %dma_start3A_17] : memref<32x26x128xi32, #tpu.memory_space<hbm>> -> memref<1x26x128xi32, #tpu.memory_space<hbm>>
      %dma_start3A_19 = tpu.memref_squeeze %dma_start3A_18 : memref<1x26x128xi32, #tpu.memory_space<hbm>> -> memref<26x128xi32, #tpu.memory_space<hbm>>
      %dma_start3A_20 = arith.constant 0 : i32
      %dma_start3A_21 = arith.constant 0 : i32
      %dma_start3A_22 = tpu.memref_slice %arg2[%add3A, %dma_start3A_20, %dma_start3A_21] : memref<32x26x128xi32, #tpu.memory_space<hbm>> -> memref<1x26x128xi32, #tpu.memory_space<hbm>>
      %dma_start3A_23 = tpu.memref_squeeze %dma_start3A_22 : memref<1x26x128xi32, #tpu.memory_space<hbm>> -> memref<26x128xi32, #tpu.memory_space<hbm>>
      tpu.enqueue_dma source(%dma_start3A_23 : memref<26x128xi32, #tpu.memory_space<hbm>>) target(%arg7 : memref<26x128xi32, #tpu.memory_space<vmem>>) target_semaphore(%run_scoped3A : memref<!tpu.dma_semaphore, #tpu.memory_space<semaphore_mem>>)
      %dma_wait3A = arith.constant 0 : i32
      %dma_wait3A_24 = arith.constant 0 : i32
      %dma_wait3A_25 = tpu.memref_slice %arg2[%add3A, %dma_wait3A, %dma_wait3A_24] : memref<32x26x128xi32, #tpu.memory_space<hbm>> -> memref<1x26x128xi32, #tpu.memory_space<hbm>>
      %dma_wait3A_26 = tpu.memref_squeeze %dma_wait3A_25 : memref<1x26x128xi32, #tpu.memory_space<hbm>> -> memref<26x128xi32, #tpu.memory_space<hbm>>
      %dma_wait3A_27 = arith.constant 0 : i32
      %dma_wait3A_28 = arith.constant 0 : i32
      %dma_wait3A_29 = tpu.memref_slice %arg2[%add3A, %dma_wait3A_27, %dma_wait3A_28] : memref<32x26x128xi32, #tpu.memory_space<hbm>> -> memref<1x26x128xi32, #tpu.memory_space<hbm>>
      %dma_wait3A_30 = tpu.memref_squeeze %dma_wait3A_29 : memref<1x26x128xi32, #tpu.memory_space<hbm>> -> memref<26x128xi32, #tpu.memory_space<hbm>>
      tpu.wait_dma2 semaphore(%run_scoped3A : memref<!tpu.dma_semaphore, #tpu.memory_space<semaphore_mem>>) src(%dma_wait3A_30 : memref<26x128xi32, #tpu.memory_space<hbm>>) dst(%arg7 : memref<26x128xi32, #tpu.memory_space<vmem>>)
      tpu.yield
    }) : () -> ()
    %scan3A = arith.constant 0 : i32
    %scan3A_1 = arith.constant 26 : i32
    %scan3A_2 = arith.addi %scan3A, %scan3A_1 : i32
    %scan3A_3 = arith.constant 1 : i32
    scf.for %scan3A_17 = %scan3A to %scan3A_2 step %scan3A_3  : i32 {
      %mul3A_18 = arith.constant 1 : i32
      %mul3A_19 = arith.muli %scan3A_17, %mul3A_18 : i32
      %add3A_20 = arith.constant 0 : i32
      %add3A_21 = arith.addi %add3A_20, %mul3A_19 : i32
      %get3A = arith.index_cast %add3A_21 : i32 to index
      %get3A_22 = arith.constant 0 : index
      %get3A_23 = tpu.vector_load %arg7[%get3A, %get3A_22] {strides = array<i32>} : memref<26x128xi32, #tpu.memory_space<vmem>>, vector<1x16xi32>,
      %get3A_24 = vector.shape_cast %get3A_23 : vector<1x16xi32> to vector<16xi32>
      %shift_right_logical3A = arith.constant 4 : i32
      %shift_right_logical3A_25 = vector.broadcast %shift_right_logical3A : i32 to vector<16xi32>
      %shift_right_logical3A_26 = arith.shrui %get3A_24, %shift_right_logical3A_25 : vector<16xi32>
      %swap3A = arith.index_cast %add3A_21 : i32 to index
      %swap3A_27 = arith.constant 0 : index
      %swap3A_28 = tpu.vector_load %arg8[%swap3A, %swap3A_27] {strides = array<i32>} : memref<26x128xi32, #tpu.memory_space<vmem>>, vector<1x16xi32>,
      %swap3A_29 = vector.shape_cast %swap3A_28 : vector<1x16xi32> to vector<16xi32>
      %swap3A_30 = vector.shape_cast %shift_right_logical3A_26 : vector<16xi32> to vector<1x16xi32>
      tpu.vector_store %arg8[%swap3A, %swap3A_27], %swap3A_30 {strides = array<i32>} : memref<26x128xi32, #tpu.memory_space<vmem>>, vector<1x16xi32>,
      %get3A_31 = arith.index_cast %add3A_21 : i32 to index
      %get3A_32 = arith.constant 16 : index
      %get3A_33 = tpu.vector_load %arg7[%get3A_31, %get3A_32] {strides = array<i32>} : memref<26x128xi32, #tpu.memory_space<vmem>>, vector<1x16xi32>,
      %get3A_34 = vector.shape_cast %get3A_33 : vector<1x16xi32> to vector<16xi32>
      %shift_right_logical3A_35 = arith.constant 4 : i32
      %shift_right_logical3A_36 = vector.broadcast %shift_right_logical3A_35 : i32 to vector<16xi32>
      %shift_right_logical3A_37 = arith.shrui %get3A_34, %shift_right_logical3A_36 : vector<16xi32>
      %swap3A_38 = arith.index_cast %add3A_21 : i32 to index
      %swap3A_39 = arith.constant 16 : index
      %swap3A_40 = tpu.vector_load %arg8[%swap3A_38, %swap3A_39] {strides = array<i32>} : memref<26x128xi32, #tpu.memory_space<vmem>>, vector<1x16xi32>,
      %swap3A_41 = vector.shape_cast %swap3A_40 : vector<1x16xi32> to vector<16xi32>
      %swap3A_42 = vector.shape_cast %shift_right_logical3A_37 : vector<16xi32> to vector<1x16xi32>
      tpu.vector_store %arg8[%swap3A_38, %swap3A_39], %swap3A_42 {strides = array<i32>} : memref<26x128xi32, #tpu.memory_space<vmem>>, vector<1x16xi32>,
      %get3A_43 = arith.index_cast %add3A_21 : i32 to index
      %get3A_44 = arith.constant 32 : index
      %get3A_45 = tpu.vector_load %arg7[%get3A_43, %get3A_44] {strides = array<i32>} : memref<26x128xi32, #tpu.memory_space<vmem>>, vector<1x16xi32>,
      %get3A_46 = vector.shape_cast %get3A_45 : vector<1x16xi32> to vector<16xi32>
      %shift_right_logical3A_47 = arith.constant 4 : i32
      %shift_right_logical3A_48 = vector.broadcast %shift_right_logical3A_47 : i32 to vector<16xi32>
      %shift_right_logical3A_49 = arith.shrui %get3A_46, %shift_right_logical3A_48 : vector<16xi32>
      %swap3A_50 = arith.index_cast %add3A_21 : i32 to index
      %swap3A_51 = arith.constant 32 : index
      %swap3A_52 = tpu.vector_load %arg8[%swap3A_50, %swap3A_51] {strides = array<i32>} : memref<26x128xi32, #tpu.memory_space<vmem>>, vector<1x16xi32>,
      %swap3A_53 = vector.shape_cast %swap3A_52 : vector<1x16xi32> to vector<16xi32>
      %swap3A_54 = vector.shape_cast %shift_right_logical3A_49 : vector<16xi32> to vector<1x16xi32>
      tpu.vector_store %arg8[%swap3A_50, %swap3A_51], %swap3A_54 {strides = array<i32>} : memref<26x128xi32, #tpu.memory_space<vmem>>, vector<1x16xi32>,
      %get3A_55 = arith.index_cast %add3A_21 : i32 to index
      %get3A_56 = arith.constant 48 : index
      %get3A_57 = tpu.vector_load %arg7[%get3A_55, %get3A_56] {strides = array<i32>} : memref<26x128xi32, #tpu.memory_space<vmem>>, vector<1x16xi32>,
      %get3A_58 = vector.shape_cast %get3A_57 : vector<1x16xi32> to vector<16xi32>
      %shift_right_logical3A_59 = arith.constant 4 : i32
      %shift_right_logical3A_60 = vector.broadcast %shift_right_logical3A_59 : i32 to vector<16xi32>
      %shift_right_logical3A_61 = arith.shrui %get3A_58, %shift_right_logical3A_60 : vector<16xi32>
      %swap3A_62 = arith.index_cast %add3A_21 : i32 to index
      %swap3A_63 = arith.constant 48 : index
      %swap3A_64 = tpu.vector_load %arg8[%swap3A_62, %swap3A_63] {strides = array<i32>} : memref<26x128xi32, #tpu.memory_space<vmem>>, vector<1x16xi32>,
      %swap3A_65 = vector.shape_cast %swap3A_64 : vector<1x16xi32> to vector<16xi32>
      %swap3A_66 = vector.shape_cast %shift_right_logical3A_61 : vector<16xi32> to vector<1x16xi32>
      tpu.vector_store %arg8[%swap3A_62, %swap3A_63], %swap3A_66 {strides = array<i32>} : memref<26x128xi32, #tpu.memory_space<vmem>>, vector<1x16xi32>,
      %get3A_67 = arith.index_cast %add3A_21 : i32 to index
      %get3A_68 = arith.constant 64 : index
      %get3A_69 = tpu.vector_load %arg7[%get3A_67, %get3A_68] {strides = array<i32>} : memref<26x128xi32, #tpu.memory_space<vmem>>, vector<1x16xi32>,
      %get3A_70 = vector.shape_cast %get3A_69 : vector<1x16xi32> to vector<16xi32>
      %shift_right_logical3A_71 = arith.constant 4 : i32
      %shift_right_logical3A_72 = vector.broadcast %shift_right_logical3A_71 : i32 to vector<16xi32>
      %shift_right_logical3A_73 = arith.shrui %get3A_70, %shift_right_logical3A_72 : vector<16xi32>
      %swap3A_74 = arith.index_cast %add3A_21 : i32 to index
      %swap3A_75 = arith.constant 64 : index
      %swap3A_76 = tpu.vector_load %arg8[%swap3A_74, %swap3A_75] {strides = array<i32>} : memref<26x128xi32, #tpu.memory_space<vmem>>, vector<1x16xi32>,
      %swap3A_77 = vector.shape_cast %swap3A_76 : vector<1x16xi32> to vector<16xi32>
      %swap3A_78 = vector.shape_cast %shift_right_logical3A_73 : vector<16xi32> to vector<1x16xi32>
      tpu.vector_store %arg8[%swap3A_74, %swap3A_75], %swap3A_78 {strides = array<i32>} : memref<26x128xi32, #tpu.memory_space<vmem>>, vector<1x16xi32>,
      %get3A_79 = arith.index_cast %add3A_21 : i32 to index
      %get3A_80 = arith.constant 80 : index
      %get3A_81 = tpu.vector_load %arg7[%get3A_79, %get3A_80] {strides = array<i32>} : memref<26x128xi32, #tpu.memory_space<vmem>>, vector<1x16xi32>,
      %get3A_82 = vector.shape_cast %get3A_81 : vector<1x16xi32> to vector<16xi32>
      %shift_right_logical3A_83 = arith.constant 4 : i32
      %shift_right_logical3A_84 = vector.broadcast %shift_right_logical3A_83 : i32 to vector<16xi32>
      %shift_right_logical3A_85 = arith.shrui %get3A_82, %shift_right_logical3A_84 : vector<16xi32>
      %swap3A_86 = arith.index_cast %add3A_21 : i32 to index
      %swap3A_87 = arith.constant 80 : index
      %swap3A_88 = tpu.vector_load %arg8[%swap3A_86, %swap3A_87] {strides = array<i32>} : memref<26x128xi32, #tpu.memory_space<vmem>>, vector<1x16xi32>,
      %swap3A_89 = vector.shape_cast %swap3A_88 : vector<1x16xi32> to vector<16xi32>
      %swap3A_90 = vector.shape_cast %shift_right_logical3A_85 : vector<16xi32> to vector<1x16xi32>
      tpu.vector_store %arg8[%swap3A_86, %swap3A_87], %swap3A_90 {strides = array<i32>} : memref<26x128xi32, #tpu.memory_space<vmem>>, vector<1x16xi32>,
      %get3A_91 = arith.index_cast %add3A_21 : i32 to index
      %get3A_92 = arith.constant 96 : index
      %get3A_93 = tpu.vector_load %arg7[%get3A_91, %get3A_92] {strides = array<i32>} : memref<26x128xi32, #tpu.memory_space<vmem>>, vector<1x16xi32>,
      %get3A_94 = vector.shape_cast %get3A_93 : vector<1x16xi32> to vector<16xi32>
      %shift_right_logical3A_95 = arith.constant 4 : i32
      %shift_right_logical3A_96 = vector.broadcast %shift_right_logical3A_95 : i32 to vector<16xi32>
      %shift_right_logical3A_97 = arith.shrui %get3A_94, %shift_right_logical3A_96 : vector<16xi32>
      %swap3A_98 = arith.index_cast %add3A_21 : i32 to index
      %swap3A_99 = arith.constant 96 : index
      %swap3A_100 = tpu.vector_load %arg8[%swap3A_98, %swap3A_99] {strides = array<i32>} : memref<26x128xi32, #tpu.memory_space<vmem>>, vector<1x16xi32>,
      %swap3A_101 = vector.shape_cast %swap3A_100 : vector<1x16xi32> to vector<16xi32>
      %swap3A_102 = vector.shape_cast %shift_right_logical3A_97 : vector<16xi32> to vector<1x16xi32>
      tpu.vector_store %arg8[%swap3A_98, %swap3A_99], %swap3A_102 {strides = array<i32>} : memref<26x128xi32, #tpu.memory_space<vmem>>, vector<1x16xi32>,
      %get3A_103 = arith.index_cast %add3A_21 : i32 to index
      %get3A_104 = arith.constant 112 : index
      %get3A_105 = tpu.vector_load %arg7[%get3A_103, %get3A_104] {strides = array<i32>} : memref<26x128xi32, #tpu.memory_space<vmem>>, vector<1x16xi32>,
      %get3A_106 = vector.shape_cast %get3A_105 : vector<1x16xi32> to vector<16xi32>
      %shift_right_logical3A_107 = arith.constant 4 : i32
      %shift_right_logical3A_108 = vector.broadcast %shift_right_logical3A_107 : i32 to vector<16xi32>
      %shift_right_logical3A_109 = arith.shrui %get3A_106, %shift_right_logical3A_108 : vector<16xi32>
      %swap3A_110 = arith.index_cast %add3A_21 : i32 to index
      %swap3A_111 = arith.constant 112 : index
      %swap3A_112 = tpu.vector_load %arg8[%swap3A_110, %swap3A_111] {strides = array<i32>} : memref<26x128xi32, #tpu.memory_space<vmem>>, vector<1x16xi32>,
      %swap3A_113 = vector.shape_cast %swap3A_112 : vector<1x16xi32> to vector<16xi32>
      %swap3A_114 = vector.shape_cast %shift_right_logical3A_109 : vector<16xi32> to vector<1x16xi32>
      tpu.vector_store %arg8[%swap3A_110, %swap3A_111], %swap3A_114 {strides = array<i32>} : memref<26x128xi32, #tpu.memory_space<vmem>>, vector<1x16xi32>,
    }
    %scan3A_4 = arith.constant 26 : i32
    %scan3A_5 = arith.constant 0 : i32
    %scan3A_6 = arith.constant 2 : i32
    %scan3A_7 = arith.addi %scan3A_5, %scan3A_6 : i32
    %scan3A_8 = arith.constant 1 : i32
    scf.for %scan3A_17 = %scan3A_5 to %scan3A_7 step %scan3A_8  : i32 {
      %mul3A_18 = arith.constant 1 : i32
      %mul3A_19 = arith.muli %scan3A_17, %mul3A_18 : i32
      %add3A_20 = arith.constant 0 : i32
      %add3A_21 = arith.addi %add3A_20, %mul3A_19 : i32
      %mul3A_22 = arith.constant 13 : i32
      %mul3A_23 = arith.muli %add3A_21, %mul3A_22 : i32
      %add3A_24 = arith.constant 0 : i32
      %add3A_25 = arith.addi %mul3A_23, %add3A_24 : i32
      %mul3A_26 = arith.constant 128 : i32
      %mul3A_27 = arith.muli %add3A_25, %mul3A_26 : i32
      %dma_start3A = arith.constant 0 : i32
      %dma_start3A_28 = tpu.memref_slice %arg9[%mul3A_27, %dma_start3A] : memref<3328x16xf32, #tpu.memory_space<vmem>> -> memref<128x16xf32, #tpu.memory_space<vmem>>
      %dma_start3A_29 = arith.constant 0 : i32
      %dma_start3A_30 = tpu.memref_slice %arg7[%add3A_25, %dma_start3A_29] : memref<26x128xi32, #tpu.memory_space<vmem>> -> memref<1x128xi32, #tpu.memory_space<vmem>>
      %dma_start3A_31 = tpu.memref_squeeze %dma_start3A_30 : memref<1x128xi32, #tpu.memory_space<vmem>> -> memref<128xi32, #tpu.memory_space<vmem>>
      %dma_start3A_32 = arith.constant 0 : i32
      %dma_start3A_33 = arith.constant 0 : i32
      %dma_start3A_34 = tpu.memref_slice %arg3[%dma_start3A_32, %dma_start3A_33] : memref<1000000x16xf32, #tpu.memory_space<hbm>> -> memref<1000000x16xf32, #tpu.memory_space<hbm>>
      tpu.enqueue_indirect_dma source(%dma_start3A_34 : memref<1000000x16xf32, #tpu.memory_space<hbm>>) target(%dma_start3A_28 : memref<128x16xf32, #tpu.memory_space<vmem>>) offsets(%dma_start3A_31 : memref<128xi32, #tpu.memory_space<vmem>>) semaphore(%arg11 : memref<!tpu.dma_semaphore, #tpu.memory_space<semaphore_mem>>)
      %mul3A_35 = arith.constant 128 : i32
      %mul3A_36 = arith.muli %add3A_25, %mul3A_35 : i32
      %dma_start3A_37 = arith.constant 0 : i32
      %dma_start3A_38 = tpu.memref_slice %arg10[%mul3A_36, %dma_start3A_37] : memref<3328x16xf32, #tpu.memory_space<vmem>> -> memref<128x16xf32, #tpu.memory_space<vmem>>
      %dma_start3A_39 = arith.constant 0 : i32
      %dma_start3A_40 = tpu.memref_slice %arg8[%add3A_25, %dma_start3A_39] : memref<26x128xi32, #tpu.memory_space<vmem>> -> memref<1x128xi32, #tpu.memory_space<vmem>>
      %dma_start3A_41 = tpu.memref_squeeze %dma_start3A_40 : memref<1x128xi32, #tpu.memory_space<vmem>> -> memref<128xi32, #tpu.memory_space<vmem>>
      %dma_start3A_42 = arith.constant 0 : i32
      %dma_start3A_43 = arith.constant 0 : i32
      %dma_start3A_44 = tpu.memref_slice %arg4[%dma_start3A_42, %dma_start3A_43] : memref<62500x16xf32, #tpu.memory_space<hbm>> -> memref<62500x16xf32, #tpu.memory_space<hbm>>
      tpu.enqueue_indirect_dma source(%dma_start3A_44 : memref<62500x16xf32, #tpu.memory_space<hbm>>) target(%dma_start3A_38 : memref<128x16xf32, #tpu.memory_space<vmem>>) offsets(%dma_start3A_41 : memref<128xi32, #tpu.memory_space<vmem>>) semaphore(%arg12 : memref<!tpu.dma_semaphore, #tpu.memory_space<semaphore_mem>>)
      %mul3A_45 = arith.constant 13 : i32
      %mul3A_46 = arith.muli %add3A_21, %mul3A_45 : i32
      %add3A_47 = arith.constant 1 : i32
      %add3A_48 = arith.addi %mul3A_46, %add3A_47 : i32
      %mul3A_49 = arith.constant 128 : i32
      %mul3A_50 = arith.muli %add3A_48, %mul3A_49 : i32
      %dma_start3A_51 = arith.constant 0 : i32
      %dma_start3A_52 = tpu.memref_slice %arg9[%mul3A_50, %dma_start3A_51] : memref<3328x16xf32, #tpu.memory_space<vmem>> -> memref<128x16xf32, #tpu.memory_space<vmem>>
      %dma_start3A_53 = arith.constant 0 : i32
      %dma_start3A_54 = tpu.memref_slice %arg7[%add3A_48, %dma_start3A_53] : memref<26x128xi32, #tpu.memory_space<vmem>> -> memref<1x128xi32, #tpu.memory_space<vmem>>
      %dma_start3A_55 = tpu.memref_squeeze %dma_start3A_54 : memref<1x128xi32, #tpu.memory_space<vmem>> -> memref<128xi32, #tpu.memory_space<vmem>>
      %dma_start3A_56 = arith.constant 0 : i32
      %dma_start3A_57 = arith.constant 0 : i32
      %dma_start3A_58 = tpu.memref_slice %arg3[%dma_start3A_56, %dma_start3A_57] : memref<1000000x16xf32, #tpu.memory_space<hbm>> -> memref<1000000x16xf32, #tpu.memory_space<hbm>>
      tpu.enqueue_indirect_dma source(%dma_start3A_58 : memref<1000000x16xf32, #tpu.memory_space<hbm>>) target(%dma_start3A_52 : memref<128x16xf32, #tpu.memory_space<vmem>>) offsets(%dma_start3A_55 : memref<128xi32, #tpu.memory_space<vmem>>) semaphore(%arg11 : memref<!tpu.dma_semaphore, #tpu.memory_space<semaphore_mem>>)
      %mul3A_59 = arith.constant 128 : i32
      %mul3A_60 = arith.muli %add3A_48, %mul3A_59 : i32
      %dma_start3A_61 = arith.constant 0 : i32
      %dma_start3A_62 = tpu.memref_slice %arg10[%mul3A_60, %dma_start3A_61] : memref<3328x16xf32, #tpu.memory_space<vmem>> -> memref<128x16xf32, #tpu.memory_space<vmem>>
      %dma_start3A_63 = arith.constant 0 : i32
      %dma_start3A_64 = tpu.memref_slice %arg8[%add3A_48, %dma_start3A_63] : memref<26x128xi32, #tpu.memory_space<vmem>> -> memref<1x128xi32, #tpu.memory_space<vmem>>
      %dma_start3A_65 = tpu.memref_squeeze %dma_start3A_64 : memref<1x128xi32, #tpu.memory_space<vmem>> -> memref<128xi32, #tpu.memory_space<vmem>>
      %dma_start3A_66 = arith.constant 0 : i32
      %dma_start3A_67 = arith.constant 0 : i32
      %dma_start3A_68 = tpu.memref_slice %arg4[%dma_start3A_66, %dma_start3A_67] : memref<62500x16xf32, #tpu.memory_space<hbm>> -> memref<62500x16xf32, #tpu.memory_space<hbm>>
      tpu.enqueue_indirect_dma source(%dma_start3A_68 : memref<62500x16xf32, #tpu.memory_space<hbm>>) target(%dma_start3A_62 : memref<128x16xf32, #tpu.memory_space<vmem>>) offsets(%dma_start3A_65 : memref<128xi32, #tpu.memory_space<vmem>>) semaphore(%arg12 : memref<!tpu.dma_semaphore, #tpu.memory_space<semaphore_mem>>)
      %mul3A_69 = arith.constant 13 : i32
      %mul3A_70 = arith.muli %add3A_21, %mul3A_69 : i32
      %add3A_71 = arith.constant 2 : i32
      %add3A_72 = arith.addi %mul3A_70, %add3A_71 : i32
      %mul3A_73 = arith.constant 128 : i32
      %mul3A_74 = arith.muli %add3A_72, %mul3A_73 : i32
      %dma_start3A_75 = arith.constant 0 : i32
      %dma_start3A_76 = tpu.memref_slice %arg9[%mul3A_74, %dma_start3A_75] : memref<3328x16xf32, #tpu.memory_space<vmem>> -> memref<128x16xf32, #tpu.memory_space<vmem>>
      %dma_start3A_77 = arith.constant 0 : i32
      %dma_start3A_78 = tpu.memref_slice %arg7[%add3A_72, %dma_start3A_77] : memref<26x128xi32, #tpu.memory_space<vmem>> -> memref<1x128xi32, #tpu.memory_space<vmem>>
      %dma_start3A_79 = tpu.memref_squeeze %dma_start3A_78 : memref<1x128xi32, #tpu.memory_space<vmem>> -> memref<128xi32, #tpu.memory_space<vmem>>
      %dma_start3A_80 = arith.constant 0 : i32
      %dma_start3A_81 = arith.constant 0 : i32
      %dma_start3A_82 = tpu.memref_slice %arg3[%dma_start3A_80, %dma_start3A_81] : memref<1000000x16xf32, #tpu.memory_space<hbm>> -> memref<1000000x16xf32, #tpu.memory_space<hbm>>
      tpu.enqueue_indirect_dma source(%dma_start3A_82 : memref<1000000x16xf32, #tpu.memory_space<hbm>>) target(%dma_start3A_76 : memref<128x16xf32, #tpu.memory_space<vmem>>) offsets(%dma_start3A_79 : memref<128xi32, #tpu.memory_space<vmem>>) semaphore(%arg11 : memref<!tpu.dma_semaphore, #tpu.memory_space<semaphore_mem>>)
      %mul3A_83 = arith.constant 128 : i32
      %mul3A_84 = arith.muli %add3A_72, %mul3A_83 : i32
      %dma_start3A_85 = arith.constant 0 : i32
      %dma_start3A_86 = tpu.memref_slice %arg10[%mul3A_84, %dma_start3A_85] : memref<3328x16xf32, #tpu.memory_space<vmem>> -> memref<128x16xf32, #tpu.memory_space<vmem>>
      %dma_start3A_87 = arith.constant 0 : i32
      %dma_start3A_88 = tpu.memref_slice %arg8[%add3A_72, %dma_start3A_87] : memref<26x128xi32, #tpu.memory_space<vmem>> -> memref<1x128xi32, #tpu.memory_space<vmem>>
      %dma_start3A_89 = tpu.memref_squeeze %dma_start3A_88 : memref<1x128xi32, #tpu.memory_space<vmem>> -> memref<128xi32, #tpu.memory_space<vmem>>
      %dma_start3A_90 = arith.constant 0 : i32
      %dma_start3A_91 = arith.constant 0 : i32
      %dma_start3A_92 = tpu.memref_slice %arg4[%dma_start3A_90, %dma_start3A_91] : memref<62500x16xf32, #tpu.memory_space<hbm>> -> memref<62500x16xf32, #tpu.memory_space<hbm>>
      tpu.enqueue_indirect_dma source(%dma_start3A_92 : memref<62500x16xf32, #tpu.memory_space<hbm>>) target(%dma_start3A_86 : memref<128x16xf32, #tpu.memory_space<vmem>>) offsets(%dma_start3A_89 : memref<128xi32, #tpu.memory_space<vmem>>) semaphore(%arg12 : memref<!tpu.dma_semaphore, #tpu.memory_space<semaphore_mem>>)
      %mul3A_93 = arith.constant 13 : i32
      %mul3A_94 = arith.muli %add3A_21, %mul3A_93 : i32
      %add3A_95 = arith.constant 3 : i32
      %add3A_96 = arith.addi %mul3A_94, %add3A_95 : i32
      %mul3A_97 = arith.constant 128 : i32
      %mul3A_98 = arith.muli %add3A_96, %mul3A_97 : i32
      %dma_start3A_99 = arith.constant 0 : i32
      %dma_start3A_100 = tpu.memref_slice %arg9[%mul3A_98, %dma_start3A_99] : memref<3328x16xf32, #tpu.memory_space<vmem>> -> memref<128x16xf32, #tpu.memory_space<vmem>>
      %dma_start3A_101 = arith.constant 0 : i32
      %dma_start3A_102 = tpu.memref_slice %arg7[%add3A_96, %dma_start3A_101] : memref<26x128xi32, #tpu.memory_space<vmem>> -> memref<1x128xi32, #tpu.memory_space<vmem>>
      %dma_start3A_103 = tpu.memref_squeeze %dma_start3A_102 : memref<1x128xi32, #tpu.memory_space<vmem>> -> memref<128xi32, #tpu.memory_space<vmem>>
      %dma_start3A_104 = arith.constant 0 : i32
      %dma_start3A_105 = arith.constant 0 : i32
      %dma_start3A_106 = tpu.memref_slice %arg3[%dma_start3A_104, %dma_start3A_105] : memref<1000000x16xf32, #tpu.memory_space<hbm>> -> memref<1000000x16xf32, #tpu.memory_space<hbm>>
      tpu.enqueue_indirect_dma source(%dma_start3A_106 : memref<1000000x16xf32, #tpu.memory_space<hbm>>) target(%dma_start3A_100 : memref<128x16xf32, #tpu.memory_space<vmem>>) offsets(%dma_start3A_103 : memref<128xi32, #tpu.memory_space<vmem>>) semaphore(%arg11 : memref<!tpu.dma_semaphore, #tpu.memory_space<semaphore_mem>>)
      %mul3A_107 = arith.constant 128 : i32
      %mul3A_108 = arith.muli %add3A_96, %mul3A_107 : i32
      %dma_start3A_109 = arith.constant 0 : i32
      %dma_start3A_110 = tpu.memref_slice %arg10[%mul3A_108, %dma_start3A_109] : memref<3328x16xf32, #tpu.memory_space<vmem>> -> memref<128x16xf32, #tpu.memory_space<vmem>>
      %dma_start3A_111 = arith.constant 0 : i32
      %dma_start3A_112 = tpu.memref_slice %arg8[%add3A_96, %dma_start3A_111] : memref<26x128xi32, #tpu.memory_space<vmem>> -> memref<1x128xi32, #tpu.memory_space<vmem>>
      %dma_start3A_113 = tpu.memref_squeeze %dma_start3A_112 : memref<1x128xi32, #tpu.memory_space<vmem>> -> memref<128xi32, #tpu.memory_space<vmem>>
      %dma_start3A_114 = arith.constant 0 : i32
      %dma_start3A_115 = arith.constant 0 : i32
      %dma_start3A_116 = tpu.memref_slice %arg4[%dma_start3A_114, %dma_start3A_115] : memref<62500x16xf32, #tpu.memory_space<hbm>> -> memref<62500x16xf32, #tpu.memory_space<hbm>>
      tpu.enqueue_indirect_dma source(%dma_start3A_116 : memref<62500x16xf32, #tpu.memory_space<hbm>>) target(%dma_start3A_110 : memref<128x16xf32, #tpu.memory_space<vmem>>) offsets(%dma_start3A_113 : memref<128xi32, #tpu.memory_space<vmem>>) semaphore(%arg12 : memref<!tpu.dma_semaphore, #tpu.memory_space<semaphore_mem>>)
      %mul3A_117 = arith.constant 13 : i32
      %mul3A_118 = arith.muli %add3A_21, %mul3A_117 : i32
      %add3A_119 = arith.constant 4 : i32
      %add3A_120 = arith.addi %mul3A_118, %add3A_119 : i32
      %mul3A_121 = arith.constant 128 : i32
      %mul3A_122 = arith.muli %add3A_120, %mul3A_121 : i32
      %dma_start3A_123 = arith.constant 0 : i32
      %dma_start3A_124 = tpu.memref_slice %arg9[%mul3A_122, %dma_start3A_123] : memref<3328x16xf32, #tpu.memory_space<vmem>> -> memref<128x16xf32, #tpu.memory_space<vmem>>
      %dma_start3A_125 = arith.constant 0 : i32
      %dma_start3A_126 = tpu.memref_slice %arg7[%add3A_120, %dma_start3A_125] : memref<26x128xi32, #tpu.memory_space<vmem>> -> memref<1x128xi32, #tpu.memory_space<vmem>>
      %dma_start3A_127 = tpu.memref_squeeze %dma_start3A_126 : memref<1x128xi32, #tpu.memory_space<vmem>> -> memref<128xi32, #tpu.memory_space<vmem>>
      %dma_start3A_128 = arith.constant 0 : i32
      %dma_start3A_129 = arith.constant 0 : i32
      %dma_start3A_130 = tpu.memref_slice %arg3[%dma_start3A_128, %dma_start3A_129] : memref<1000000x16xf32, #tpu.memory_space<hbm>> -> memref<1000000x16xf32, #tpu.memory_space<hbm>>
      tpu.enqueue_indirect_dma source(%dma_start3A_130 : memref<1000000x16xf32, #tpu.memory_space<hbm>>) target(%dma_start3A_124 : memref<128x16xf32, #tpu.memory_space<vmem>>) offsets(%dma_start3A_127 : memref<128xi32, #tpu.memory_space<vmem>>) semaphore(%arg11 : memref<!tpu.dma_semaphore, #tpu.memory_space<semaphore_mem>>)
      %mul3A_131 = arith.constant 128 : i32
      %mul3A_132 = arith.muli %add3A_120, %mul3A_131 : i32
      %dma_start3A_133 = arith.constant 0 : i32
      %dma_start3A_134 = tpu.memref_slice %arg10[%mul3A_132, %dma_start3A_133] : memref<3328x16xf32, #tpu.memory_space<vmem>> -> memref<128x16xf32, #tpu.memory_space<vmem>>
      %dma_start3A_135 = arith.constant 0 : i32
      %dma_start3A_136 = tpu.memref_slice %arg8[%add3A_120, %dma_start3A_135] : memref<26x128xi32, #tpu.memory_space<vmem>> -> memref<1x128xi32, #tpu.memory_space<vmem>>
      %dma_start3A_137 = tpu.memref_squeeze %dma_start3A_136 : memref<1x128xi32, #tpu.memory_space<vmem>> -> memref<128xi32, #tpu.memory_space<vmem>>
      %dma_start3A_138 = arith.constant 0 : i32
      %dma_start3A_139 = arith.constant 0 : i32
      %dma_start3A_140 = tpu.memref_slice %arg4[%dma_start3A_138, %dma_start3A_139] : memref<62500x16xf32, #tpu.memory_space<hbm>> -> memref<62500x16xf32, #tpu.memory_space<hbm>>
      tpu.enqueue_indirect_dma source(%dma_start3A_140 : memref<62500x16xf32, #tpu.memory_space<hbm>>) target(%dma_start3A_134 : memref<128x16xf32, #tpu.memory_space<vmem>>) offsets(%dma_start3A_137 : memref<128xi32, #tpu.memory_space<vmem>>) semaphore(%arg12 : memref<!tpu.dma_semaphore, #tpu.memory_space<semaphore_mem>>)
      %mul3A_141 = arith.constant 13 : i32
      %mul3A_142 = arith.muli %add3A_21, %mul3A_141 : i32
      %add3A_143 = arith.constant 5 : i32
      %add3A_144 = arith.addi %mul3A_142, %add3A_143 : i32
      %mul3A_145 = arith.constant 128 : i32
      %mul3A_146 = arith.muli %add3A_144, %mul3A_145 : i32
      %dma_start3A_147 = arith.constant 0 : i32
      %dma_start3A_148 = tpu.memref_slice %arg9[%mul3A_146, %dma_start3A_147] : memref<3328x16xf32, #tpu.memory_space<vmem>> -> memref<128x16xf32, #tpu.memory_space<vmem>>
      %dma_start3A_149 = arith.constant 0 : i32
      %dma_start3A_150 = tpu.memref_slice %arg7[%add3A_144, %dma_start3A_149] : memref<26x128xi32, #tpu.memory_space<vmem>> -> memref<1x128xi32, #tpu.memory_space<vmem>>
      %dma_start3A_151 = tpu.memref_squeeze %dma_start3A_150 : memref<1x128xi32, #tpu.memory_space<vmem>> -> memref<128xi32, #tpu.memory_space<vmem>>
      %dma_start3A_152 = arith.constant 0 : i32
      %dma_start3A_153 = arith.constant 0 : i32
      %dma_start3A_154 = tpu.memref_slice %arg3[%dma_start3A_152, %dma_start3A_153] : memref<1000000x16xf32, #tpu.memory_space<hbm>> -> memref<1000000x16xf32, #tpu.memory_space<hbm>>
      tpu.enqueue_indirect_dma source(%dma_start3A_154 : memref<1000000x16xf32, #tpu.memory_space<hbm>>) target(%dma_start3A_148 : memref<128x16xf32, #tpu.memory_space<vmem>>) offsets(%dma_start3A_151 : memref<128xi32, #tpu.memory_space<vmem>>) semaphore(%arg11 : memref<!tpu.dma_semaphore, #tpu.memory_space<semaphore_mem>>)
      %mul3A_155 = arith.constant 128 : i32
      %mul3A_156 = arith.muli %add3A_144, %mul3A_155 : i32
      %dma_start3A_157 = arith.constant 0 : i32
      %dma_start3A_158 = tpu.memref_slice %arg10[%mul3A_156, %dma_start3A_157] : memref<3328x16xf32, #tpu.memory_space<vmem>> -> memref<128x16xf32, #tpu.memory_space<vmem>>
      %dma_start3A_159 = arith.constant 0 : i32
      %dma_start3A_160 = tpu.memref_slice %arg8[%add3A_144, %dma_start3A_159] : memref<26x128xi32, #tpu.memory_space<vmem>> -> memref<1x128xi32, #tpu.memory_space<vmem>>
      %dma_start3A_161 = tpu.memref_squeeze %dma_start3A_160 : memref<1x128xi32, #tpu.memory_space<vmem>> -> memref<128xi32, #tpu.memory_space<vmem>>
      %dma_start3A_162 = arith.constant 0 : i32
      %dma_start3A_163 = arith.constant 0 : i32
      %dma_start3A_164 = tpu.memref_slice %arg4[%dma_start3A_162, %dma_start3A_163] : memref<62500x16xf32, #tpu.memory_space<hbm>> -> memref<62500x16xf32, #tpu.memory_space<hbm>>
      tpu.enqueue_indirect_dma source(%dma_start3A_164 : memref<62500x16xf32, #tpu.memory_space<hbm>>) target(%dma_start3A_158 : memref<128x16xf32, #tpu.memory_space<vmem>>) offsets(%dma_start3A_161 : memref<128xi32, #tpu.memory_space<vmem>>) semaphore(%arg12 : memref<!tpu.dma_semaphore, #tpu.memory_space<semaphore_mem>>)
      %mul3A_165 = arith.constant 13 : i32
      %mul3A_166 = arith.muli %add3A_21, %mul3A_165 : i32
      %add3A_167 = arith.constant 6 : i32
      %add3A_168 = arith.addi %mul3A_166, %add3A_167 : i32
      %mul3A_169 = arith.constant 128 : i32
      %mul3A_170 = arith.muli %add3A_168, %mul3A_169 : i32
      %dma_start3A_171 = arith.constant 0 : i32
      %dma_start3A_172 = tpu.memref_slice %arg9[%mul3A_170, %dma_start3A_171] : memref<3328x16xf32, #tpu.memory_space<vmem>> -> memref<128x16xf32, #tpu.memory_space<vmem>>
      %dma_start3A_173 = arith.constant 0 : i32
      %dma_start3A_174 = tpu.memref_slice %arg7[%add3A_168, %dma_start3A_173] : memref<26x128xi32, #tpu.memory_space<vmem>> -> memref<1x128xi32, #tpu.memory_space<vmem>>
      %dma_start3A_175 = tpu.memref_squeeze %dma_start3A_174 : memref<1x128xi32, #tpu.memory_space<vmem>> -> memref<128xi32, #tpu.memory_space<vmem>>
      %dma_start3A_176 = arith.constant 0 : i32
      %dma_start3A_177 = arith.constant 0 : i32
      %dma_start3A_178 = tpu.memref_slice %arg3[%dma_start3A_176, %dma_start3A_177] : memref<1000000x16xf32, #tpu.memory_space<hbm>> -> memref<1000000x16xf32, #tpu.memory_space<hbm>>
      tpu.enqueue_indirect_dma source(%dma_start3A_178 : memref<1000000x16xf32, #tpu.memory_space<hbm>>) target(%dma_start3A_172 : memref<128x16xf32, #tpu.memory_space<vmem>>) offsets(%dma_start3A_175 : memref<128xi32, #tpu.memory_space<vmem>>) semaphore(%arg11 : memref<!tpu.dma_semaphore, #tpu.memory_space<semaphore_mem>>)
      %mul3A_179 = arith.constant 128 : i32
      %mul3A_180 = arith.muli %add3A_168, %mul3A_179 : i32
      %dma_start3A_181 = arith.constant 0 : i32
      %dma_start3A_182 = tpu.memref_slice %arg10[%mul3A_180, %dma_start3A_181] : memref<3328x16xf32, #tpu.memory_space<vmem>> -> memref<128x16xf32, #tpu.memory_space<vmem>>
      %dma_start3A_183 = arith.constant 0 : i32
      %dma_start3A_184 = tpu.memref_slice %arg8[%add3A_168, %dma_start3A_183] : memref<26x128xi32, #tpu.memory_space<vmem>> -> memref<1x128xi32, #tpu.memory_space<vmem>>
      %dma_start3A_185 = tpu.memref_squeeze %dma_start3A_184 : memref<1x128xi32, #tpu.memory_space<vmem>> -> memref<128xi32, #tpu.memory_space<vmem>>
      %dma_start3A_186 = arith.constant 0 : i32
      %dma_start3A_187 = arith.constant 0 : i32
      %dma_start3A_188 = tpu.memref_slice %arg4[%dma_start3A_186, %dma_start3A_187] : memref<62500x16xf32, #tpu.memory_space<hbm>> -> memref<62500x16xf32, #tpu.memory_space<hbm>>
      tpu.enqueue_indirect_dma source(%dma_start3A_188 : memref<62500x16xf32, #tpu.memory_space<hbm>>) target(%dma_start3A_182 : memref<128x16xf32, #tpu.memory_space<vmem>>) offsets(%dma_start3A_185 : memref<128xi32, #tpu.memory_space<vmem>>) semaphore(%arg12 : memref<!tpu.dma_semaphore, #tpu.memory_space<semaphore_mem>>)
      %mul3A_189 = arith.constant 13 : i32
      %mul3A_190 = arith.muli %add3A_21, %mul3A_189 : i32
      %add3A_191 = arith.constant 7 : i32
      %add3A_192 = arith.addi %mul3A_190, %add3A_191 : i32
      %mul3A_193 = arith.constant 128 : i32
      %mul3A_194 = arith.muli %add3A_192, %mul3A_193 : i32
      %dma_start3A_195 = arith.constant 0 : i32
      %dma_start3A_196 = tpu.memref_slice %arg9[%mul3A_194, %dma_start3A_195] : memref<3328x16xf32, #tpu.memory_space<vmem>> -> memref<128x16xf32, #tpu.memory_space<vmem>>
      %dma_start3A_197 = arith.constant 0 : i32
      %dma_start3A_198 = tpu.memref_slice %arg7[%add3A_192, %dma_start3A_197] : memref<26x128xi32, #tpu.memory_space<vmem>> -> memref<1x128xi32, #tpu.memory_space<vmem>>
      %dma_start3A_199 = tpu.memref_squeeze %dma_start3A_198 : memref<1x128xi32, #tpu.memory_space<vmem>> -> memref<128xi32, #tpu.memory_space<vmem>>
      %dma_start3A_200 = arith.constant 0 : i32
      %dma_start3A_201 = arith.constant 0 : i32
      %dma_start3A_202 = tpu.memref_slice %arg3[%dma_start3A_200, %dma_start3A_201] : memref<1000000x16xf32, #tpu.memory_space<hbm>> -> memref<1000000x16xf32, #tpu.memory_space<hbm>>
      tpu.enqueue_indirect_dma source(%dma_start3A_202 : memref<1000000x16xf32, #tpu.memory_space<hbm>>) target(%dma_start3A_196 : memref<128x16xf32, #tpu.memory_space<vmem>>) offsets(%dma_start3A_199 : memref<128xi32, #tpu.memory_space<vmem>>) semaphore(%arg11 : memref<!tpu.dma_semaphore, #tpu.memory_space<semaphore_mem>>)
      %mul3A_203 = arith.constant 128 : i32
      %mul3A_204 = arith.muli %add3A_192, %mul3A_203 : i32
      %dma_start3A_205 = arith.constant 0 : i32
      %dma_start3A_206 = tpu.memref_slice %arg10[%mul3A_204, %dma_start3A_205] : memref<3328x16xf32, #tpu.memory_space<vmem>> -> memref<128x16xf32, #tpu.memory_space<vmem>>
      %dma_start3A_207 = arith.constant 0 : i32
      %dma_start3A_208 = tpu.memref_slice %arg8[%add3A_192, %dma_start3A_207] : memref<26x128xi32, #tpu.memory_space<vmem>> -> memref<1x128xi32, #tpu.memory_space<vmem>>
      %dma_start3A_209 = tpu.memref_squeeze %dma_start3A_208 : memref<1x128xi32, #tpu.memory_space<vmem>> -> memref<128xi32, #tpu.memory_space<vmem>>
      %dma_start3A_210 = arith.constant 0 : i32
      %dma_start3A_211 = arith.constant 0 : i32
      %dma_start3A_212 = tpu.memref_slice %arg4[%dma_start3A_210, %dma_start3A_211] : memref<62500x16xf32, #tpu.memory_space<hbm>> -> memref<62500x16xf32, #tpu.memory_space<hbm>>
      tpu.enqueue_indirect_dma source(%dma_start3A_212 : memref<62500x16xf32, #tpu.memory_space<hbm>>) target(%dma_start3A_206 : memref<128x16xf32, #tpu.memory_space<vmem>>) offsets(%dma_start3A_209 : memref<128xi32, #tpu.memory_space<vmem>>) semaphore(%arg12 : memref<!tpu.dma_semaphore, #tpu.memory_space<semaphore_mem>>)
      %mul3A_213 = arith.constant 13 : i32
      %mul3A_214 = arith.muli %add3A_21, %mul3A_213 : i32
      %add3A_215 = arith.constant 8 : i32
      %add3A_216 = arith.addi %mul3A_214, %add3A_215 : i32
      %mul3A_217 = arith.constant 128 : i32
      %mul3A_218 = arith.muli %add3A_216, %mul3A_217 : i32
      %dma_start3A_219 = arith.constant 0 : i32
      %dma_start3A_220 = tpu.memref_slice %arg9[%mul3A_218, %dma_start3A_219] : memref<3328x16xf32, #tpu.memory_space<vmem>> -> memref<128x16xf32, #tpu.memory_space<vmem>>
      %dma_start3A_221 = arith.constant 0 : i32
      %dma_start3A_222 = tpu.memref_slice %arg7[%add3A_216, %dma_start3A_221] : memref<26x128xi32, #tpu.memory_space<vmem>> -> memref<1x128xi32, #tpu.memory_space<vmem>>
      %dma_start3A_223 = tpu.memref_squeeze %dma_start3A_222 : memref<1x128xi32, #tpu.memory_space<vmem>> -> memref<128xi32, #tpu.memory_space<vmem>>
      %dma_start3A_224 = arith.constant 0 : i32
      %dma_start3A_225 = arith.constant 0 : i32
      %dma_start3A_226 = tpu.memref_slice %arg3[%dma_start3A_224, %dma_start3A_225] : memref<1000000x16xf32, #tpu.memory_space<hbm>> -> memref<1000000x16xf32, #tpu.memory_space<hbm>>
      tpu.enqueue_indirect_dma source(%dma_start3A_226 : memref<1000000x16xf32, #tpu.memory_space<hbm>>) target(%dma_start3A_220 : memref<128x16xf32, #tpu.memory_space<vmem>>) offsets(%dma_start3A_223 : memref<128xi32, #tpu.memory_space<vmem>>) semaphore(%arg11 : memref<!tpu.dma_semaphore, #tpu.memory_space<semaphore_mem>>)
      %mul3A_227 = arith.constant 128 : i32
      %mul3A_228 = arith.muli %add3A_216, %mul3A_227 : i32
      %dma_start3A_229 = arith.constant 0 : i32
      %dma_start3A_230 = tpu.memref_slice %arg10[%mul3A_228, %dma_start3A_229] : memref<3328x16xf32, #tpu.memory_space<vmem>> -> memref<128x16xf32, #tpu.memory_space<vmem>>
      %dma_start3A_231 = arith.constant 0 : i32
      %dma_start3A_232 = tpu.memref_slice %arg8[%add3A_216, %dma_start3A_231] : memref<26x128xi32, #tpu.memory_space<vmem>> -> memref<1x128xi32, #tpu.memory_space<vmem>>
      %dma_start3A_233 = tpu.memref_squeeze %dma_start3A_232 : memref<1x128xi32, #tpu.memory_space<vmem>> -> memref<128xi32, #tpu.memory_space<vmem>>
      %dma_start3A_234 = arith.constant 0 : i32
      %dma_start3A_235 = arith.constant 0 : i32
      %dma_start3A_236 = tpu.memref_slice %arg4[%dma_start3A_234, %dma_start3A_235] : memref<62500x16xf32, #tpu.memory_space<hbm>> -> memref<62500x16xf32, #tpu.memory_space<hbm>>
      tpu.enqueue_indirect_dma source(%dma_start3A_236 : memref<62500x16xf32, #tpu.memory_space<hbm>>) target(%dma_start3A_230 : memref<128x16xf32, #tpu.memory_space<vmem>>) offsets(%dma_start3A_233 : memref<128xi32, #tpu.memory_space<vmem>>) semaphore(%arg12 : memref<!tpu.dma_semaphore, #tpu.memory_space<semaphore_mem>>)
      %mul3A_237 = arith.constant 13 : i32
      %mul3A_238 = arith.muli %add3A_21, %mul3A_237 : i32
      %add3A_239 = arith.constant 9 : i32
      %add3A_240 = arith.addi %mul3A_238, %add3A_239 : i32
      %mul3A_241 = arith.constant 128 : i32
      %mul3A_242 = arith.muli %add3A_240, %mul3A_241 : i32
      %dma_start3A_243 = arith.constant 0 : i32
      %dma_start3A_244 = tpu.memref_slice %arg9[%mul3A_242, %dma_start3A_243] : memref<3328x16xf32, #tpu.memory_space<vmem>> -> memref<128x16xf32, #tpu.memory_space<vmem>>
      %dma_start3A_245 = arith.constant 0 : i32
      %dma_start3A_246 = tpu.memref_slice %arg7[%add3A_240, %dma_start3A_245] : memref<26x128xi32, #tpu.memory_space<vmem>> -> memref<1x128xi32, #tpu.memory_space<vmem>>
      %dma_start3A_247 = tpu.memref_squeeze %dma_start3A_246 : memref<1x128xi32, #tpu.memory_space<vmem>> -> memref<128xi32, #tpu.memory_space<vmem>>
      %dma_start3A_248 = arith.constant 0 : i32
      %dma_start3A_249 = arith.constant 0 : i32
      %dma_start3A_250 = tpu.memref_slice %arg3[%dma_start3A_248, %dma_start3A_249] : memref<1000000x16xf32, #tpu.memory_space<hbm>> -> memref<1000000x16xf32, #tpu.memory_space<hbm>>
      tpu.enqueue_indirect_dma source(%dma_start3A_250 : memref<1000000x16xf32, #tpu.memory_space<hbm>>) target(%dma_start3A_244 : memref<128x16xf32, #tpu.memory_space<vmem>>) offsets(%dma_start3A_247 : memref<128xi32, #tpu.memory_space<vmem>>) semaphore(%arg11 : memref<!tpu.dma_semaphore, #tpu.memory_space<semaphore_mem>>)
      %mul3A_251 = arith.constant 128 : i32
      %mul3A_252 = arith.muli %add3A_240, %mul3A_251 : i32
      %dma_start3A_253 = arith.constant 0 : i32
      %dma_start3A_254 = tpu.memref_slice %arg10[%mul3A_252, %dma_start3A_253] : memref<3328x16xf32, #tpu.memory_space<vmem>> -> memref<128x16xf32, #tpu.memory_space<vmem>>
      %dma_start3A_255 = arith.constant 0 : i32
      %dma_start3A_256 = tpu.memref_slice %arg8[%add3A_240, %dma_start3A_255] : memref<26x128xi32, #tpu.memory_space<vmem>> -> memref<1x128xi32, #tpu.memory_space<vmem>>
      %dma_start3A_257 = tpu.memref_squeeze %dma_start3A_256 : memref<1x128xi32, #tpu.memory_space<vmem>> -> memref<128xi32, #tpu.memory_space<vmem>>
      %dma_start3A_258 = arith.constant 0 : i32
      %dma_start3A_259 = arith.constant 0 : i32
      %dma_start3A_260 = tpu.memref_slice %arg4[%dma_start3A_258, %dma_start3A_259] : memref<62500x16xf32, #tpu.memory_space<hbm>> -> memref<62500x16xf32, #tpu.memory_space<hbm>>
      tpu.enqueue_indirect_dma source(%dma_start3A_260 : memref<62500x16xf32, #tpu.memory_space<hbm>>) target(%dma_start3A_254 : memref<128x16xf32, #tpu.memory_space<vmem>>) offsets(%dma_start3A_257 : memref<128xi32, #tpu.memory_space<vmem>>) semaphore(%arg12 : memref<!tpu.dma_semaphore, #tpu.memory_space<semaphore_mem>>)
      %mul3A_261 = arith.constant 13 : i32
      %mul3A_262 = arith.muli %add3A_21, %mul3A_261 : i32
      %add3A_263 = arith.constant 10 : i32
      %add3A_264 = arith.addi %mul3A_262, %add3A_263 : i32
      %mul3A_265 = arith.constant 128 : i32
      %mul3A_266 = arith.muli %add3A_264, %mul3A_265 : i32
      %dma_start3A_267 = arith.constant 0 : i32
      %dma_start3A_268 = tpu.memref_slice %arg9[%mul3A_266, %dma_start3A_267] : memref<3328x16xf32, #tpu.memory_space<vmem>> -> memref<128x16xf32, #tpu.memory_space<vmem>>
      %dma_start3A_269 = arith.constant 0 : i32
      %dma_start3A_270 = tpu.memref_slice %arg7[%add3A_264, %dma_start3A_269] : memref<26x128xi32, #tpu.memory_space<vmem>> -> memref<1x128xi32, #tpu.memory_space<vmem>>
      %dma_start3A_271 = tpu.memref_squeeze %dma_start3A_270 : memref<1x128xi32, #tpu.memory_space<vmem>> -> memref<128xi32, #tpu.memory_space<vmem>>
      %dma_start3A_272 = arith.constant 0 : i32
      %dma_start3A_273 = arith.constant 0 : i32
      %dma_start3A_274 = tpu.memref_slice %arg3[%dma_start3A_272, %dma_start3A_273] : memref<1000000x16xf32, #tpu.memory_space<hbm>> -> memref<1000000x16xf32, #tpu.memory_space<hbm>>
      tpu.enqueue_indirect_dma source(%dma_start3A_274 : memref<1000000x16xf32, #tpu.memory_space<hbm>>) target(%dma_start3A_268 : memref<128x16xf32, #tpu.memory_space<vmem>>) offsets(%dma_start3A_271 : memref<128xi32, #tpu.memory_space<vmem>>) semaphore(%arg11 : memref<!tpu.dma_semaphore, #tpu.memory_space<semaphore_mem>>)
      %mul3A_275 = arith.constant 128 : i32
      %mul3A_276 = arith.muli %add3A_264, %mul3A_275 : i32
      %dma_start3A_277 = arith.constant 0 : i32
      %dma_start3A_278 = tpu.memref_slice %arg10[%mul3A_276, %dma_start3A_277] : memref<3328x16xf32, #tpu.memory_space<vmem>> -> memref<128x16xf32, #tpu.memory_space<vmem>>
      %dma_start3A_279 = arith.constant 0 : i32
      %dma_start3A_280 = tpu.memref_slice %arg8[%add3A_264, %dma_start3A_279] : memref<26x128xi32, #tpu.memory_space<vmem>> -> memref<1x128xi32, #tpu.memory_space<vmem>>
      %dma_start3A_281 = tpu.memref_squeeze %dma_start3A_280 : memref<1x128xi32, #tpu.memory_space<vmem>> -> memref<128xi32, #tpu.memory_space<vmem>>
      %dma_start3A_282 = arith.constant 0 : i32
      %dma_start3A_283 = arith.constant 0 : i32
      %dma_start3A_284 = tpu.memref_slice %arg4[%dma_start3A_282, %dma_start3A_283] : memref<62500x16xf32, #tpu.memory_space<hbm>> -> memref<62500x16xf32, #tpu.memory_space<hbm>>
      tpu.enqueue_indirect_dma source(%dma_start3A_284 : memref<62500x16xf32, #tpu.memory_space<hbm>>) target(%dma_start3A_278 : memref<128x16xf32, #tpu.memory_space<vmem>>) offsets(%dma_start3A_281 : memref<128xi32, #tpu.memory_space<vmem>>) semaphore(%arg12 : memref<!tpu.dma_semaphore, #tpu.memory_space<semaphore_mem>>)
      %mul3A_285 = arith.constant 13 : i32
      %mul3A_286 = arith.muli %add3A_21, %mul3A_285 : i32
      %add3A_287 = arith.constant 11 : i32
      %add3A_288 = arith.addi %mul3A_286, %add3A_287 : i32
      %mul3A_289 = arith.constant 128 : i32
      %mul3A_290 = arith.muli %add3A_288, %mul3A_289 : i32
      %dma_start3A_291 = arith.constant 0 : i32
      %dma_start3A_292 = tpu.memref_slice %arg9[%mul3A_290, %dma_start3A_291] : memref<3328x16xf32, #tpu.memory_space<vmem>> -> memref<128x16xf32, #tpu.memory_space<vmem>>
      %dma_start3A_293 = arith.constant 0 : i32
      %dma_start3A_294 = tpu.memref_slice %arg7[%add3A_288, %dma_start3A_293] : memref<26x128xi32, #tpu.memory_space<vmem>> -> memref<1x128xi32, #tpu.memory_space<vmem>>
      %dma_start3A_295 = tpu.memref_squeeze %dma_start3A_294 : memref<1x128xi32, #tpu.memory_space<vmem>> -> memref<128xi32, #tpu.memory_space<vmem>>
      %dma_start3A_296 = arith.constant 0 : i32
      %dma_start3A_297 = arith.constant 0 : i32
      %dma_start3A_298 = tpu.memref_slice %arg3[%dma_start3A_296, %dma_start3A_297] : memref<1000000x16xf32, #tpu.memory_space<hbm>> -> memref<1000000x16xf32, #tpu.memory_space<hbm>>
      tpu.enqueue_indirect_dma source(%dma_start3A_298 : memref<1000000x16xf32, #tpu.memory_space<hbm>>) target(%dma_start3A_292 : memref<128x16xf32, #tpu.memory_space<vmem>>) offsets(%dma_start3A_295 : memref<128xi32, #tpu.memory_space<vmem>>) semaphore(%arg11 : memref<!tpu.dma_semaphore, #tpu.memory_space<semaphore_mem>>)
      %mul3A_299 = arith.constant 128 : i32
      %mul3A_300 = arith.muli %add3A_288, %mul3A_299 : i32
      %dma_start3A_301 = arith.constant 0 : i32
      %dma_start3A_302 = tpu.memref_slice %arg10[%mul3A_300, %dma_start3A_301] : memref<3328x16xf32, #tpu.memory_space<vmem>> -> memref<128x16xf32, #tpu.memory_space<vmem>>
      %dma_start3A_303 = arith.constant 0 : i32
      %dma_start3A_304 = tpu.memref_slice %arg8[%add3A_288, %dma_start3A_303] : memref<26x128xi32, #tpu.memory_space<vmem>> -> memref<1x128xi32, #tpu.memory_space<vmem>>
      %dma_start3A_305 = tpu.memref_squeeze %dma_start3A_304 : memref<1x128xi32, #tpu.memory_space<vmem>> -> memref<128xi32, #tpu.memory_space<vmem>>
      %dma_start3A_306 = arith.constant 0 : i32
      %dma_start3A_307 = arith.constant 0 : i32
      %dma_start3A_308 = tpu.memref_slice %arg4[%dma_start3A_306, %dma_start3A_307] : memref<62500x16xf32, #tpu.memory_space<hbm>> -> memref<62500x16xf32, #tpu.memory_space<hbm>>
      tpu.enqueue_indirect_dma source(%dma_start3A_308 : memref<62500x16xf32, #tpu.memory_space<hbm>>) target(%dma_start3A_302 : memref<128x16xf32, #tpu.memory_space<vmem>>) offsets(%dma_start3A_305 : memref<128xi32, #tpu.memory_space<vmem>>) semaphore(%arg12 : memref<!tpu.dma_semaphore, #tpu.memory_space<semaphore_mem>>)
      %mul3A_309 = arith.constant 13 : i32
      %mul3A_310 = arith.muli %add3A_21, %mul3A_309 : i32
      %add3A_311 = arith.constant 12 : i32
      %add3A_312 = arith.addi %mul3A_310, %add3A_311 : i32
      %mul3A_313 = arith.constant 128 : i32
      %mul3A_314 = arith.muli %add3A_312, %mul3A_313 : i32
      %dma_start3A_315 = arith.constant 0 : i32
      %dma_start3A_316 = tpu.memref_slice %arg9[%mul3A_314, %dma_start3A_315] : memref<3328x16xf32, #tpu.memory_space<vmem>> -> memref<128x16xf32, #tpu.memory_space<vmem>>
      %dma_start3A_317 = arith.constant 0 : i32
      %dma_start3A_318 = tpu.memref_slice %arg7[%add3A_312, %dma_start3A_317] : memref<26x128xi32, #tpu.memory_space<vmem>> -> memref<1x128xi32, #tpu.memory_space<vmem>>
      %dma_start3A_319 = tpu.memref_squeeze %dma_start3A_318 : memref<1x128xi32, #tpu.memory_space<vmem>> -> memref<128xi32, #tpu.memory_space<vmem>>
      %dma_start3A_320 = arith.constant 0 : i32
      %dma_start3A_321 = arith.constant 0 : i32
      %dma_start3A_322 = tpu.memref_slice %arg3[%dma_start3A_320, %dma_start3A_321] : memref<1000000x16xf32, #tpu.memory_space<hbm>> -> memref<1000000x16xf32, #tpu.memory_space<hbm>>
      tpu.enqueue_indirect_dma source(%dma_start3A_322 : memref<1000000x16xf32, #tpu.memory_space<hbm>>) target(%dma_start3A_316 : memref<128x16xf32, #tpu.memory_space<vmem>>) offsets(%dma_start3A_319 : memref<128xi32, #tpu.memory_space<vmem>>) semaphore(%arg11 : memref<!tpu.dma_semaphore, #tpu.memory_space<semaphore_mem>>)
      %mul3A_323 = arith.constant 128 : i32
      %mul3A_324 = arith.muli %add3A_312, %mul3A_323 : i32
      %dma_start3A_325 = arith.constant 0 : i32
      %dma_start3A_326 = tpu.memref_slice %arg10[%mul3A_324, %dma_start3A_325] : memref<3328x16xf32, #tpu.memory_space<vmem>> -> memref<128x16xf32, #tpu.memory_space<vmem>>
      %dma_start3A_327 = arith.constant 0 : i32
      %dma_start3A_328 = tpu.memref_slice %arg8[%add3A_312, %dma_start3A_327] : memref<26x128xi32, #tpu.memory_space<vmem>> -> memref<1x128xi32, #tpu.memory_space<vmem>>
      %dma_start3A_329 = tpu.memref_squeeze %dma_start3A_328 : memref<1x128xi32, #tpu.memory_space<vmem>> -> memref<128xi32, #tpu.memory_space<vmem>>
      %dma_start3A_330 = arith.constant 0 : i32
      %dma_start3A_331 = arith.constant 0 : i32
      %dma_start3A_332 = tpu.memref_slice %arg4[%dma_start3A_330, %dma_start3A_331] : memref<62500x16xf32, #tpu.memory_space<hbm>> -> memref<62500x16xf32, #tpu.memory_space<hbm>>
      tpu.enqueue_indirect_dma source(%dma_start3A_332 : memref<62500x16xf32, #tpu.memory_space<hbm>>) target(%dma_start3A_326 : memref<128x16xf32, #tpu.memory_space<vmem>>) offsets(%dma_start3A_329 : memref<128xi32, #tpu.memory_space<vmem>>) semaphore(%arg12 : memref<!tpu.dma_semaphore, #tpu.memory_space<semaphore_mem>>)
      %dma_wait3A = arith.constant 0 : i32
      %dma_wait3A_333 = tpu.memref_slice %arg9[%mul3A_27, %dma_wait3A] : memref<3328x16xf32, #tpu.memory_space<vmem>> -> memref<128x16xf32, #tpu.memory_space<vmem>>
      %dma_wait3A_334 = arith.constant 0 : i32
      %dma_wait3A_335 = tpu.memref_slice %arg7[%add3A_25, %dma_wait3A_334] : memref<26x128xi32, #tpu.memory_space<vmem>> -> memref<1x128xi32, #tpu.memory_space<vmem>>
      %dma_wait3A_336 = tpu.memref_squeeze %dma_wait3A_335 : memref<1x128xi32, #tpu.memory_space<vmem>> -> memref<128xi32, #tpu.memory_space<vmem>>
      %dma_wait3A_337 = arith.constant 0 : i32
      %dma_wait3A_338 = arith.constant 0 : i32
      %dma_wait3A_339 = tpu.memref_slice %arg3[%dma_wait3A_337, %dma_wait3A_338] : memref<1000000x16xf32, #tpu.memory_space<hbm>> -> memref<1000000x16xf32, #tpu.memory_space<hbm>>
      tpu.wait_indirect_dma semaphore(%arg11 : memref<!tpu.dma_semaphore, #tpu.memory_space<semaphore_mem>>) src(%dma_wait3A_339 : memref<1000000x16xf32, #tpu.memory_space<hbm>>) dst(%dma_wait3A_333 : memref<128x16xf32, #tpu.memory_space<vmem>>)
      %dma_wait3A_340 = arith.constant 0 : i32
      %dma_wait3A_341 = tpu.memref_slice %arg10[%mul3A_36, %dma_wait3A_340] : memref<3328x16xf32, #tpu.memory_space<vmem>> -> memref<128x16xf32, #tpu.memory_space<vmem>>
      %dma_wait3A_342 = arith.constant 0 : i32
      %dma_wait3A_343 = tpu.memref_slice %arg8[%add3A_25, %dma_wait3A_342] : memref<26x128xi32, #tpu.memory_space<vmem>> -> memref<1x128xi32, #tpu.memory_space<vmem>>
      %dma_wait3A_344 = tpu.memref_squeeze %dma_wait3A_343 : memref<1x128xi32, #tpu.memory_space<vmem>> -> memref<128xi32, #tpu.memory_space<vmem>>
      %dma_wait3A_345 = arith.constant 0 : i32
      %dma_wait3A_346 = arith.constant 0 : i32
      %dma_wait3A_347 = tpu.memref_slice %arg4[%dma_wait3A_345, %dma_wait3A_346] : memref<62500x16xf32, #tpu.memory_space<hbm>> -> memref<62500x16xf32, #tpu.memory_space<hbm>>
      tpu.wait_indirect_dma semaphore(%arg12 : memref<!tpu.dma_semaphore, #tpu.memory_space<semaphore_mem>>) src(%dma_wait3A_347 : memref<62500x16xf32, #tpu.memory_space<hbm>>) dst(%dma_wait3A_341 : memref<128x16xf32, #tpu.memory_space<vmem>>)
      %dma_wait3A_348 = arith.constant 0 : i32
      %dma_wait3A_349 = tpu.memref_slice %arg9[%mul3A_50, %dma_wait3A_348] : memref<3328x16xf32, #tpu.memory_space<vmem>> -> memref<128x16xf32, #tpu.memory_space<vmem>>
      %dma_wait3A_350 = arith.constant 0 : i32
      %dma_wait3A_351 = tpu.memref_slice %arg7[%add3A_48, %dma_wait3A_350] : memref<26x128xi32, #tpu.memory_space<vmem>> -> memref<1x128xi32, #tpu.memory_space<vmem>>
      %dma_wait3A_352 = tpu.memref_squeeze %dma_wait3A_351 : memref<1x128xi32, #tpu.memory_space<vmem>> -> memref<128xi32, #tpu.memory_space<vmem>>
      %dma_wait3A_353 = arith.constant 0 : i32
      %dma_wait3A_354 = arith.constant 0 : i32
      %dma_wait3A_355 = tpu.memref_slice %arg3[%dma_wait3A_353, %dma_wait3A_354] : memref<1000000x16xf32, #tpu.memory_space<hbm>> -> memref<1000000x16xf32, #tpu.memory_space<hbm>>
      tpu.wait_indirect_dma semaphore(%arg11 : memref<!tpu.dma_semaphore, #tpu.memory_space<semaphore_mem>>) src(%dma_wait3A_355 : memref<1000000x16xf32, #tpu.memory_space<hbm>>) dst(%dma_wait3A_349 : memref<128x16xf32, #tpu.memory_space<vmem>>)
      %dma_wait3A_356 = arith.constant 0 : i32
      %dma_wait3A_357 = tpu.memref_slice %arg10[%mul3A_60, %dma_wait3A_356] : memref<3328x16xf32, #tpu.memory_space<vmem>> -> memref<128x16xf32, #tpu.memory_space<vmem>>
      %dma_wait3A_358 = arith.constant 0 : i32
      %dma_wait3A_359 = tpu.memref_slice %arg8[%add3A_48, %dma_wait3A_358] : memref<26x128xi32, #tpu.memory_space<vmem>> -> memref<1x128xi32, #tpu.memory_space<vmem>>
      %dma_wait3A_360 = tpu.memref_squeeze %dma_wait3A_359 : memref<1x128xi32, #tpu.memory_space<vmem>> -> memref<128xi32, #tpu.memory_space<vmem>>
      %dma_wait3A_361 = arith.constant 0 : i32
      %dma_wait3A_362 = arith.constant 0 : i32
      %dma_wait3A_363 = tpu.memref_slice %arg4[%dma_wait3A_361, %dma_wait3A_362] : memref<62500x16xf32, #tpu.memory_space<hbm>> -> memref<62500x16xf32, #tpu.memory_space<hbm>>
      tpu.wait_indirect_dma semaphore(%arg12 : memref<!tpu.dma_semaphore, #tpu.memory_space<semaphore_mem>>) src(%dma_wait3A_363 : memref<62500x16xf32, #tpu.memory_space<hbm>>) dst(%dma_wait3A_357 : memref<128x16xf32, #tpu.memory_space<vmem>>)
      %dma_wait3A_364 = arith.constant 0 : i32
      %dma_wait3A_365 = tpu.memref_slice %arg9[%mul3A_74, %dma_wait3A_364] : memref<3328x16xf32, #tpu.memory_space<vmem>> -> memref<128x16xf32, #tpu.memory_space<vmem>>
      %dma_wait3A_366 = arith.constant 0 : i32
      %dma_wait3A_367 = tpu.memref_slice %arg7[%add3A_72, %dma_wait3A_366] : memref<26x128xi32, #tpu.memory_space<vmem>> -> memref<1x128xi32, #tpu.memory_space<vmem>>
      %dma_wait3A_368 = tpu.memref_squeeze %dma_wait3A_367 : memref<1x128xi32, #tpu.memory_space<vmem>> -> memref<128xi32, #tpu.memory_space<vmem>>
      %dma_wait3A_369 = arith.constant 0 : i32
      %dma_wait3A_370 = arith.constant 0 : i32
      %dma_wait3A_371 = tpu.memref_slice %arg3[%dma_wait3A_369, %dma_wait3A_370] : memref<1000000x16xf32, #tpu.memory_space<hbm>> -> memref<1000000x16xf32, #tpu.memory_space<hbm>>
      tpu.wait_indirect_dma semaphore(%arg11 : memref<!tpu.dma_semaphore, #tpu.memory_space<semaphore_mem>>) src(%dma_wait3A_371 : memref<1000000x16xf32, #tpu.memory_space<hbm>>) dst(%dma_wait3A_365 : memref<128x16xf32, #tpu.memory_space<vmem>>)
      %dma_wait3A_372 = arith.constant 0 : i32
      %dma_wait3A_373 = tpu.memref_slice %arg10[%mul3A_84, %dma_wait3A_372] : memref<3328x16xf32, #tpu.memory_space<vmem>> -> memref<128x16xf32, #tpu.memory_space<vmem>>
      %dma_wait3A_374 = arith.constant 0 : i32
      %dma_wait3A_375 = tpu.memref_slice %arg8[%add3A_72, %dma_wait3A_374] : memref<26x128xi32, #tpu.memory_space<vmem>> -> memref<1x128xi32, #tpu.memory_space<vmem>>
      %dma_wait3A_376 = tpu.memref_squeeze %dma_wait3A_375 : memref<1x128xi32, #tpu.memory_space<vmem>> -> memref<128xi32, #tpu.memory_space<vmem>>
      %dma_wait3A_377 = arith.constant 0 : i32
      %dma_wait3A_378 = arith.constant 0 : i32
      %dma_wait3A_379 = tpu.memref_slice %arg4[%dma_wait3A_377, %dma_wait3A_378] : memref<62500x16xf32, #tpu.memory_space<hbm>> -> memref<62500x16xf32, #tpu.memory_space<hbm>>
      tpu.wait_indirect_dma semaphore(%arg12 : memref<!tpu.dma_semaphore, #tpu.memory_space<semaphore_mem>>) src(%dma_wait3A_379 : memref<62500x16xf32, #tpu.memory_space<hbm>>) dst(%dma_wait3A_373 : memref<128x16xf32, #tpu.memory_space<vmem>>)
      %dma_wait3A_380 = arith.constant 0 : i32
      %dma_wait3A_381 = tpu.memref_slice %arg9[%mul3A_98, %dma_wait3A_380] : memref<3328x16xf32, #tpu.memory_space<vmem>> -> memref<128x16xf32, #tpu.memory_space<vmem>>
      %dma_wait3A_382 = arith.constant 0 : i32
      %dma_wait3A_383 = tpu.memref_slice %arg7[%add3A_96, %dma_wait3A_382] : memref<26x128xi32, #tpu.memory_space<vmem>> -> memref<1x128xi32, #tpu.memory_space<vmem>>
      %dma_wait3A_384 = tpu.memref_squeeze %dma_wait3A_383 : memref<1x128xi32, #tpu.memory_space<vmem>> -> memref<128xi32, #tpu.memory_space<vmem>>
      %dma_wait3A_385 = arith.constant 0 : i32
      %dma_wait3A_386 = arith.constant 0 : i32
      %dma_wait3A_387 = tpu.memref_slice %arg3[%dma_wait3A_385, %dma_wait3A_386] : memref<1000000x16xf32, #tpu.memory_space<hbm>> -> memref<1000000x16xf32, #tpu.memory_space<hbm>>
      tpu.wait_indirect_dma semaphore(%arg11 : memref<!tpu.dma_semaphore, #tpu.memory_space<semaphore_mem>>) src(%dma_wait3A_387 : memref<1000000x16xf32, #tpu.memory_space<hbm>>) dst(%dma_wait3A_381 : memref<128x16xf32, #tpu.memory_space<vmem>>)
      %dma_wait3A_388 = arith.constant 0 : i32
      %dma_wait3A_389 = tpu.memref_slice %arg10[%mul3A_108, %dma_wait3A_388] : memref<3328x16xf32, #tpu.memory_space<vmem>> -> memref<128x16xf32, #tpu.memory_space<vmem>>
      %dma_wait3A_390 = arith.constant 0 : i32
      %dma_wait3A_391 = tpu.memref_slice %arg8[%add3A_96, %dma_wait3A_390] : memref<26x128xi32, #tpu.memory_space<vmem>> -> memref<1x128xi32, #tpu.memory_space<vmem>>
      %dma_wait3A_392 = tpu.memref_squeeze %dma_wait3A_391 : memref<1x128xi32, #tpu.memory_space<vmem>> -> memref<128xi32, #tpu.memory_space<vmem>>
      %dma_wait3A_393 = arith.constant 0 : i32
      %dma_wait3A_394 = arith.constant 0 : i32
      %dma_wait3A_395 = tpu.memref_slice %arg4[%dma_wait3A_393, %dma_wait3A_394] : memref<62500x16xf32, #tpu.memory_space<hbm>> -> memref<62500x16xf32, #tpu.memory_space<hbm>>
      tpu.wait_indirect_dma semaphore(%arg12 : memref<!tpu.dma_semaphore, #tpu.memory_space<semaphore_mem>>) src(%dma_wait3A_395 : memref<62500x16xf32, #tpu.memory_space<hbm>>) dst(%dma_wait3A_389 : memref<128x16xf32, #tpu.memory_space<vmem>>)
      %dma_wait3A_396 = arith.constant 0 : i32
      %dma_wait3A_397 = tpu.memref_slice %arg9[%mul3A_122, %dma_wait3A_396] : memref<3328x16xf32, #tpu.memory_space<vmem>> -> memref<128x16xf32, #tpu.memory_space<vmem>>
      %dma_wait3A_398 = arith.constant 0 : i32
      %dma_wait3A_399 = tpu.memref_slice %arg7[%add3A_120, %dma_wait3A_398] : memref<26x128xi32, #tpu.memory_space<vmem>> -> memref<1x128xi32, #tpu.memory_space<vmem>>
      %dma_wait3A_400 = tpu.memref_squeeze %dma_wait3A_399 : memref<1x128xi32, #tpu.memory_space<vmem>> -> memref<128xi32, #tpu.memory_space<vmem>>
      %dma_wait3A_401 = arith.constant 0 : i32
      %dma_wait3A_402 = arith.constant 0 : i32
      %dma_wait3A_403 = tpu.memref_slice %arg3[%dma_wait3A_401, %dma_wait3A_402] : memref<1000000x16xf32, #tpu.memory_space<hbm>> -> memref<1000000x16xf32, #tpu.memory_space<hbm>>
      tpu.wait_indirect_dma semaphore(%arg11 : memref<!tpu.dma_semaphore, #tpu.memory_space<semaphore_mem>>) src(%dma_wait3A_403 : memref<1000000x16xf32, #tpu.memory_space<hbm>>) dst(%dma_wait3A_397 : memref<128x16xf32, #tpu.memory_space<vmem>>)
      %dma_wait3A_404 = arith.constant 0 : i32
      %dma_wait3A_405 = tpu.memref_slice %arg10[%mul3A_132, %dma_wait3A_404] : memref<3328x16xf32, #tpu.memory_space<vmem>> -> memref<128x16xf32, #tpu.memory_space<vmem>>
      %dma_wait3A_406 = arith.constant 0 : i32
      %dma_wait3A_407 = tpu.memref_slice %arg8[%add3A_120, %dma_wait3A_406] : memref<26x128xi32, #tpu.memory_space<vmem>> -> memref<1x128xi32, #tpu.memory_space<vmem>>
      %dma_wait3A_408 = tpu.memref_squeeze %dma_wait3A_407 : memref<1x128xi32, #tpu.memory_space<vmem>> -> memref<128xi32, #tpu.memory_space<vmem>>
      %dma_wait3A_409 = arith.constant 0 : i32
      %dma_wait3A_410 = arith.constant 0 : i32
      %dma_wait3A_411 = tpu.memref_slice %arg4[%dma_wait3A_409, %dma_wait3A_410] : memref<62500x16xf32, #tpu.memory_space<hbm>> -> memref<62500x16xf32, #tpu.memory_space<hbm>>
      tpu.wait_indirect_dma semaphore(%arg12 : memref<!tpu.dma_semaphore, #tpu.memory_space<semaphore_mem>>) src(%dma_wait3A_411 : memref<62500x16xf32, #tpu.memory_space<hbm>>) dst(%dma_wait3A_405 : memref<128x16xf32, #tpu.memory_space<vmem>>)
      %dma_wait3A_412 = arith.constant 0 : i32
      %dma_wait3A_413 = tpu.memref_slice %arg9[%mul3A_146, %dma_wait3A_412] : memref<3328x16xf32, #tpu.memory_space<vmem>> -> memref<128x16xf32, #tpu.memory_space<vmem>>
      %dma_wait3A_414 = arith.constant 0 : i32
      %dma_wait3A_415 = tpu.memref_slice %arg7[%add3A_144, %dma_wait3A_414] : memref<26x128xi32, #tpu.memory_space<vmem>> -> memref<1x128xi32, #tpu.memory_space<vmem>>
      %dma_wait3A_416 = tpu.memref_squeeze %dma_wait3A_415 : memref<1x128xi32, #tpu.memory_space<vmem>> -> memref<128xi32, #tpu.memory_space<vmem>>
      %dma_wait3A_417 = arith.constant 0 : i32
      %dma_wait3A_418 = arith.constant 0 : i32
      %dma_wait3A_419 = tpu.memref_slice %arg3[%dma_wait3A_417, %dma_wait3A_418] : memref<1000000x16xf32, #tpu.memory_space<hbm>> -> memref<1000000x16xf32, #tpu.memory_space<hbm>>
      tpu.wait_indirect_dma semaphore(%arg11 : memref<!tpu.dma_semaphore, #tpu.memory_space<semaphore_mem>>) src(%dma_wait3A_419 : memref<1000000x16xf32, #tpu.memory_space<hbm>>) dst(%dma_wait3A_413 : memref<128x16xf32, #tpu.memory_space<vmem>>)
      %dma_wait3A_420 = arith.constant 0 : i32
      %dma_wait3A_421 = tpu.memref_slice %arg10[%mul3A_156, %dma_wait3A_420] : memref<3328x16xf32, #tpu.memory_space<vmem>> -> memref<128x16xf32, #tpu.memory_space<vmem>>
      %dma_wait3A_422 = arith.constant 0 : i32
      %dma_wait3A_423 = tpu.memref_slice %arg8[%add3A_144, %dma_wait3A_422] : memref<26x128xi32, #tpu.memory_space<vmem>> -> memref<1x128xi32, #tpu.memory_space<vmem>>
      %dma_wait3A_424 = tpu.memref_squeeze %dma_wait3A_423 : memref<1x128xi32, #tpu.memory_space<vmem>> -> memref<128xi32, #tpu.memory_space<vmem>>
      %dma_wait3A_425 = arith.constant 0 : i32
      %dma_wait3A_426 = arith.constant 0 : i32
      %dma_wait3A_427 = tpu.memref_slice %arg4[%dma_wait3A_425, %dma_wait3A_426] : memref<62500x16xf32, #tpu.memory_space<hbm>> -> memref<62500x16xf32, #tpu.memory_space<hbm>>
      tpu.wait_indirect_dma semaphore(%arg12 : memref<!tpu.dma_semaphore, #tpu.memory_space<semaphore_mem>>) src(%dma_wait3A_427 : memref<62500x16xf32, #tpu.memory_space<hbm>>) dst(%dma_wait3A_421 : memref<128x16xf32, #tpu.memory_space<vmem>>)
      %dma_wait3A_428 = arith.constant 0 : i32
      %dma_wait3A_429 = tpu.memref_slice %arg9[%mul3A_170, %dma_wait3A_428] : memref<3328x16xf32, #tpu.memory_space<vmem>> -> memref<128x16xf32, #tpu.memory_space<vmem>>
      %dma_wait3A_430 = arith.constant 0 : i32
      %dma_wait3A_431 = tpu.memref_slice %arg7[%add3A_168, %dma_wait3A_430] : memref<26x128xi32, #tpu.memory_space<vmem>> -> memref<1x128xi32, #tpu.memory_space<vmem>>
      %dma_wait3A_432 = tpu.memref_squeeze %dma_wait3A_431 : memref<1x128xi32, #tpu.memory_space<vmem>> -> memref<128xi32, #tpu.memory_space<vmem>>
      %dma_wait3A_433 = arith.constant 0 : i32
      %dma_wait3A_434 = arith.constant 0 : i32
      %dma_wait3A_435 = tpu.memref_slice %arg3[%dma_wait3A_433, %dma_wait3A_434] : memref<1000000x16xf32, #tpu.memory_space<hbm>> -> memref<1000000x16xf32, #tpu.memory_space<hbm>>
      tpu.wait_indirect_dma semaphore(%arg11 : memref<!tpu.dma_semaphore, #tpu.memory_space<semaphore_mem>>) src(%dma_wait3A_435 : memref<1000000x16xf32, #tpu.memory_space<hbm>>) dst(%dma_wait3A_429 : memref<128x16xf32, #tpu.memory_space<vmem>>)
      %dma_wait3A_436 = arith.constant 0 : i32
      %dma_wait3A_437 = tpu.memref_slice %arg10[%mul3A_180, %dma_wait3A_436] : memref<3328x16xf32, #tpu.memory_space<vmem>> -> memref<128x16xf32, #tpu.memory_space<vmem>>
      %dma_wait3A_438 = arith.constant 0 : i32
      %dma_wait3A_439 = tpu.memref_slice %arg8[%add3A_168, %dma_wait3A_438] : memref<26x128xi32, #tpu.memory_space<vmem>> -> memref<1x128xi32, #tpu.memory_space<vmem>>
      %dma_wait3A_440 = tpu.memref_squeeze %dma_wait3A_439 : memref<1x128xi32, #tpu.memory_space<vmem>> -> memref<128xi32, #tpu.memory_space<vmem>>
      %dma_wait3A_441 = arith.constant 0 : i32
      %dma_wait3A_442 = arith.constant 0 : i32
      %dma_wait3A_443 = tpu.memref_slice %arg4[%dma_wait3A_441, %dma_wait3A_442] : memref<62500x16xf32, #tpu.memory_space<hbm>> -> memref<62500x16xf32, #tpu.memory_space<hbm>>
      tpu.wait_indirect_dma semaphore(%arg12 : memref<!tpu.dma_semaphore, #tpu.memory_space<semaphore_mem>>) src(%dma_wait3A_443 : memref<62500x16xf32, #tpu.memory_space<hbm>>) dst(%dma_wait3A_437 : memref<128x16xf32, #tpu.memory_space<vmem>>)
      %dma_wait3A_444 = arith.constant 0 : i32
      %dma_wait3A_445 = tpu.memref_slice %arg9[%mul3A_194, %dma_wait3A_444] : memref<3328x16xf32, #tpu.memory_space<vmem>> -> memref<128x16xf32, #tpu.memory_space<vmem>>
      %dma_wait3A_446 = arith.constant 0 : i32
      %dma_wait3A_447 = tpu.memref_slice %arg7[%add3A_192, %dma_wait3A_446] : memref<26x128xi32, #tpu.memory_space<vmem>> -> memref<1x128xi32, #tpu.memory_space<vmem>>
      %dma_wait3A_448 = tpu.memref_squeeze %dma_wait3A_447 : memref<1x128xi32, #tpu.memory_space<vmem>> -> memref<128xi32, #tpu.memory_space<vmem>>
      %dma_wait3A_449 = arith.constant 0 : i32
      %dma_wait3A_450 = arith.constant 0 : i32
      %dma_wait3A_451 = tpu.memref_slice %arg3[%dma_wait3A_449, %dma_wait3A_450] : memref<1000000x16xf32, #tpu.memory_space<hbm>> -> memref<1000000x16xf32, #tpu.memory_space<hbm>>
      tpu.wait_indirect_dma semaphore(%arg11 : memref<!tpu.dma_semaphore, #tpu.memory_space<semaphore_mem>>) src(%dma_wait3A_451 : memref<1000000x16xf32, #tpu.memory_space<hbm>>) dst(%dma_wait3A_445 : memref<128x16xf32, #tpu.memory_space<vmem>>)
      %dma_wait3A_452 = arith.constant 0 : i32
      %dma_wait3A_453 = tpu.memref_slice %arg10[%mul3A_204, %dma_wait3A_452] : memref<3328x16xf32, #tpu.memory_space<vmem>> -> memref<128x16xf32, #tpu.memory_space<vmem>>
      %dma_wait3A_454 = arith.constant 0 : i32
      %dma_wait3A_455 = tpu.memref_slice %arg8[%add3A_192, %dma_wait3A_454] : memref<26x128xi32, #tpu.memory_space<vmem>> -> memref<1x128xi32, #tpu.memory_space<vmem>>
      %dma_wait3A_456 = tpu.memref_squeeze %dma_wait3A_455 : memref<1x128xi32, #tpu.memory_space<vmem>> -> memref<128xi32, #tpu.memory_space<vmem>>
      %dma_wait3A_457 = arith.constant 0 : i32
      %dma_wait3A_458 = arith.constant 0 : i32
      %dma_wait3A_459 = tpu.memref_slice %arg4[%dma_wait3A_457, %dma_wait3A_458] : memref<62500x16xf32, #tpu.memory_space<hbm>> -> memref<62500x16xf32, #tpu.memory_space<hbm>>
      tpu.wait_indirect_dma semaphore(%arg12 : memref<!tpu.dma_semaphore, #tpu.memory_space<semaphore_mem>>) src(%dma_wait3A_459 : memref<62500x16xf32, #tpu.memory_space<hbm>>) dst(%dma_wait3A_453 : memref<128x16xf32, #tpu.memory_space<vmem>>)
      %dma_wait3A_460 = arith.constant 0 : i32
      %dma_wait3A_461 = tpu.memref_slice %arg9[%mul3A_218, %dma_wait3A_460] : memref<3328x16xf32, #tpu.memory_space<vmem>> -> memref<128x16xf32, #tpu.memory_space<vmem>>
      %dma_wait3A_462 = arith.constant 0 : i32
      %dma_wait3A_463 = tpu.memref_slice %arg7[%add3A_216, %dma_wait3A_462] : memref<26x128xi32, #tpu.memory_space<vmem>> -> memref<1x128xi32, #tpu.memory_space<vmem>>
      %dma_wait3A_464 = tpu.memref_squeeze %dma_wait3A_463 : memref<1x128xi32, #tpu.memory_space<vmem>> -> memref<128xi32, #tpu.memory_space<vmem>>
      %dma_wait3A_465 = arith.constant 0 : i32
      %dma_wait3A_466 = arith.constant 0 : i32
      %dma_wait3A_467 = tpu.memref_slice %arg3[%dma_wait3A_465, %dma_wait3A_466] : memref<1000000x16xf32, #tpu.memory_space<hbm>> -> memref<1000000x16xf32, #tpu.memory_space<hbm>>
      tpu.wait_indirect_dma semaphore(%arg11 : memref<!tpu.dma_semaphore, #tpu.memory_space<semaphore_mem>>) src(%dma_wait3A_467 : memref<1000000x16xf32, #tpu.memory_space<hbm>>) dst(%dma_wait3A_461 : memref<128x16xf32, #tpu.memory_space<vmem>>)
      %dma_wait3A_468 = arith.constant 0 : i32
      %dma_wait3A_469 = tpu.memref_slice %arg10[%mul3A_228, %dma_wait3A_468] : memref<3328x16xf32, #tpu.memory_space<vmem>> -> memref<128x16xf32, #tpu.memory_space<vmem>>
      %dma_wait3A_470 = arith.constant 0 : i32
      %dma_wait3A_471 = tpu.memref_slice %arg8[%add3A_216, %dma_wait3A_470] : memref<26x128xi32, #tpu.memory_space<vmem>> -> memref<1x128xi32, #tpu.memory_space<vmem>>
      %dma_wait3A_472 = tpu.memref_squeeze %dma_wait3A_471 : memref<1x128xi32, #tpu.memory_space<vmem>> -> memref<128xi32, #tpu.memory_space<vmem>>
      %dma_wait3A_473 = arith.constant 0 : i32
      %dma_wait3A_474 = arith.constant 0 : i32
      %dma_wait3A_475 = tpu.memref_slice %arg4[%dma_wait3A_473, %dma_wait3A_474] : memref<62500x16xf32, #tpu.memory_space<hbm>> -> memref<62500x16xf32, #tpu.memory_space<hbm>>
      tpu.wait_indirect_dma semaphore(%arg12 : memref<!tpu.dma_semaphore, #tpu.memory_space<semaphore_mem>>) src(%dma_wait3A_475 : memref<62500x16xf32, #tpu.memory_space<hbm>>) dst(%dma_wait3A_469 : memref<128x16xf32, #tpu.memory_space<vmem>>)
      %dma_wait3A_476 = arith.constant 0 : i32
      %dma_wait3A_477 = tpu.memref_slice %arg9[%mul3A_242, %dma_wait3A_476] : memref<3328x16xf32, #tpu.memory_space<vmem>> -> memref<128x16xf32, #tpu.memory_space<vmem>>
      %dma_wait3A_478 = arith.constant 0 : i32
      %dma_wait3A_479 = tpu.memref_slice %arg7[%add3A_240, %dma_wait3A_478] : memref<26x128xi32, #tpu.memory_space<vmem>> -> memref<1x128xi32, #tpu.memory_space<vmem>>
      %dma_wait3A_480 = tpu.memref_squeeze %dma_wait3A_479 : memref<1x128xi32, #tpu.memory_space<vmem>> -> memref<128xi32, #tpu.memory_space<vmem>>
      %dma_wait3A_481 = arith.constant 0 : i32
      %dma_wait3A_482 = arith.constant 0 : i32
      %dma_wait3A_483 = tpu.memref_slice %arg3[%dma_wait3A_481, %dma_wait3A_482] : memref<1000000x16xf32, #tpu.memory_space<hbm>> -> memref<1000000x16xf32, #tpu.memory_space<hbm>>
      tpu.wait_indirect_dma semaphore(%arg11 : memref<!tpu.dma_semaphore, #tpu.memory_space<semaphore_mem>>) src(%dma_wait3A_483 : memref<1000000x16xf32, #tpu.memory_space<hbm>>) dst(%dma_wait3A_477 : memref<128x16xf32, #tpu.memory_space<vmem>>)
      %dma_wait3A_484 = arith.constant 0 : i32
      %dma_wait3A_485 = tpu.memref_slice %arg10[%mul3A_252, %dma_wait3A_484] : memref<3328x16xf32, #tpu.memory_space<vmem>> -> memref<128x16xf32, #tpu.memory_space<vmem>>
      %dma_wait3A_486 = arith.constant 0 : i32
      %dma_wait3A_487 = tpu.memref_slice %arg8[%add3A_240, %dma_wait3A_486] : memref<26x128xi32, #tpu.memory_space<vmem>> -> memref<1x128xi32, #tpu.memory_space<vmem>>
      %dma_wait3A_488 = tpu.memref_squeeze %dma_wait3A_487 : memref<1x128xi32, #tpu.memory_space<vmem>> -> memref<128xi32, #tpu.memory_space<vmem>>
      %dma_wait3A_489 = arith.constant 0 : i32
      %dma_wait3A_490 = arith.constant 0 : i32
      %dma_wait3A_491 = tpu.memref_slice %arg4[%dma_wait3A_489, %dma_wait3A_490] : memref<62500x16xf32, #tpu.memory_space<hbm>> -> memref<62500x16xf32, #tpu.memory_space<hbm>>
      tpu.wait_indirect_dma semaphore(%arg12 : memref<!tpu.dma_semaphore, #tpu.memory_space<semaphore_mem>>) src(%dma_wait3A_491 : memref<62500x16xf32, #tpu.memory_space<hbm>>) dst(%dma_wait3A_485 : memref<128x16xf32, #tpu.memory_space<vmem>>)
      %dma_wait3A_492 = arith.constant 0 : i32
      %dma_wait3A_493 = tpu.memref_slice %arg9[%mul3A_266, %dma_wait3A_492] : memref<3328x16xf32, #tpu.memory_space<vmem>> -> memref<128x16xf32, #tpu.memory_space<vmem>>
      %dma_wait3A_494 = arith.constant 0 : i32
      %dma_wait3A_495 = tpu.memref_slice %arg7[%add3A_264, %dma_wait3A_494] : memref<26x128xi32, #tpu.memory_space<vmem>> -> memref<1x128xi32, #tpu.memory_space<vmem>>
      %dma_wait3A_496 = tpu.memref_squeeze %dma_wait3A_495 : memref<1x128xi32, #tpu.memory_space<vmem>> -> memref<128xi32, #tpu.memory_space<vmem>>
      %dma_wait3A_497 = arith.constant 0 : i32
      %dma_wait3A_498 = arith.constant 0 : i32
      %dma_wait3A_499 = tpu.memref_slice %arg3[%dma_wait3A_497, %dma_wait3A_498] : memref<1000000x16xf32, #tpu.memory_space<hbm>> -> memref<1000000x16xf32, #tpu.memory_space<hbm>>
      tpu.wait_indirect_dma semaphore(%arg11 : memref<!tpu.dma_semaphore, #tpu.memory_space<semaphore_mem>>) src(%dma_wait3A_499 : memref<1000000x16xf32, #tpu.memory_space<hbm>>) dst(%dma_wait3A_493 : memref<128x16xf32, #tpu.memory_space<vmem>>)
      %dma_wait3A_500 = arith.constant 0 : i32
      %dma_wait3A_501 = tpu.memref_slice %arg10[%mul3A_276, %dma_wait3A_500] : memref<3328x16xf32, #tpu.memory_space<vmem>> -> memref<128x16xf32, #tpu.memory_space<vmem>>
      %dma_wait3A_502 = arith.constant 0 : i32
      %dma_wait3A_503 = tpu.memref_slice %arg8[%add3A_264, %dma_wait3A_502] : memref<26x128xi32, #tpu.memory_space<vmem>> -> memref<1x128xi32, #tpu.memory_space<vmem>>
      %dma_wait3A_504 = tpu.memref_squeeze %dma_wait3A_503 : memref<1x128xi32, #tpu.memory_space<vmem>> -> memref<128xi32, #tpu.memory_space<vmem>>
      %dma_wait3A_505 = arith.constant 0 : i32
      %dma_wait3A_506 = arith.constant 0 : i32
      %dma_wait3A_507 = tpu.memref_slice %arg4[%dma_wait3A_505, %dma_wait3A_506] : memref<62500x16xf32, #tpu.memory_space<hbm>> -> memref<62500x16xf32, #tpu.memory_space<hbm>>
      tpu.wait_indirect_dma semaphore(%arg12 : memref<!tpu.dma_semaphore, #tpu.memory_space<semaphore_mem>>) src(%dma_wait3A_507 : memref<62500x16xf32, #tpu.memory_space<hbm>>) dst(%dma_wait3A_501 : memref<128x16xf32, #tpu.memory_space<vmem>>)
      %dma_wait3A_508 = arith.constant 0 : i32
      %dma_wait3A_509 = tpu.memref_slice %arg9[%mul3A_290, %dma_wait3A_508] : memref<3328x16xf32, #tpu.memory_space<vmem>> -> memref<128x16xf32, #tpu.memory_space<vmem>>
      %dma_wait3A_510 = arith.constant 0 : i32
      %dma_wait3A_511 = tpu.memref_slice %arg7[%add3A_288, %dma_wait3A_510] : memref<26x128xi32, #tpu.memory_space<vmem>> -> memref<1x128xi32, #tpu.memory_space<vmem>>
      %dma_wait3A_512 = tpu.memref_squeeze %dma_wait3A_511 : memref<1x128xi32, #tpu.memory_space<vmem>> -> memref<128xi32, #tpu.memory_space<vmem>>
      %dma_wait3A_513 = arith.constant 0 : i32
      %dma_wait3A_514 = arith.constant 0 : i32
      %dma_wait3A_515 = tpu.memref_slice %arg3[%dma_wait3A_513, %dma_wait3A_514] : memref<1000000x16xf32, #tpu.memory_space<hbm>> -> memref<1000000x16xf32, #tpu.memory_space<hbm>>
      tpu.wait_indirect_dma semaphore(%arg11 : memref<!tpu.dma_semaphore, #tpu.memory_space<semaphore_mem>>) src(%dma_wait3A_515 : memref<1000000x16xf32, #tpu.memory_space<hbm>>) dst(%dma_wait3A_509 : memref<128x16xf32, #tpu.memory_space<vmem>>)
      %dma_wait3A_516 = arith.constant 0 : i32
      %dma_wait3A_517 = tpu.memref_slice %arg10[%mul3A_300, %dma_wait3A_516] : memref<3328x16xf32, #tpu.memory_space<vmem>> -> memref<128x16xf32, #tpu.memory_space<vmem>>
      %dma_wait3A_518 = arith.constant 0 : i32
      %dma_wait3A_519 = tpu.memref_slice %arg8[%add3A_288, %dma_wait3A_518] : memref<26x128xi32, #tpu.memory_space<vmem>> -> memref<1x128xi32, #tpu.memory_space<vmem>>
      %dma_wait3A_520 = tpu.memref_squeeze %dma_wait3A_519 : memref<1x128xi32, #tpu.memory_space<vmem>> -> memref<128xi32, #tpu.memory_space<vmem>>
      %dma_wait3A_521 = arith.constant 0 : i32
      %dma_wait3A_522 = arith.constant 0 : i32
      %dma_wait3A_523 = tpu.memref_slice %arg4[%dma_wait3A_521, %dma_wait3A_522] : memref<62500x16xf32, #tpu.memory_space<hbm>> -> memref<62500x16xf32, #tpu.memory_space<hbm>>
      tpu.wait_indirect_dma semaphore(%arg12 : memref<!tpu.dma_semaphore, #tpu.memory_space<semaphore_mem>>) src(%dma_wait3A_523 : memref<62500x16xf32, #tpu.memory_space<hbm>>) dst(%dma_wait3A_517 : memref<128x16xf32, #tpu.memory_space<vmem>>)
      %dma_wait3A_524 = arith.constant 0 : i32
      %dma_wait3A_525 = tpu.memref_slice %arg9[%mul3A_314, %dma_wait3A_524] : memref<3328x16xf32, #tpu.memory_space<vmem>> -> memref<128x16xf32, #tpu.memory_space<vmem>>
      %dma_wait3A_526 = arith.constant 0 : i32
      %dma_wait3A_527 = tpu.memref_slice %arg7[%add3A_312, %dma_wait3A_526] : memref<26x128xi32, #tpu.memory_space<vmem>> -> memref<1x128xi32, #tpu.memory_space<vmem>>
      %dma_wait3A_528 = tpu.memref_squeeze %dma_wait3A_527 : memref<1x128xi32, #tpu.memory_space<vmem>> -> memref<128xi32, #tpu.memory_space<vmem>>
      %dma_wait3A_529 = arith.constant 0 : i32
      %dma_wait3A_530 = arith.constant 0 : i32
      %dma_wait3A_531 = tpu.memref_slice %arg3[%dma_wait3A_529, %dma_wait3A_530] : memref<1000000x16xf32, #tpu.memory_space<hbm>> -> memref<1000000x16xf32, #tpu.memory_space<hbm>>
      tpu.wait_indirect_dma semaphore(%arg11 : memref<!tpu.dma_semaphore, #tpu.memory_space<semaphore_mem>>) src(%dma_wait3A_531 : memref<1000000x16xf32, #tpu.memory_space<hbm>>) dst(%dma_wait3A_525 : memref<128x16xf32, #tpu.memory_space<vmem>>)
      %dma_wait3A_532 = arith.constant 0 : i32
      %dma_wait3A_533 = tpu.memref_slice %arg10[%mul3A_324, %dma_wait3A_532] : memref<3328x16xf32, #tpu.memory_space<vmem>> -> memref<128x16xf32, #tpu.memory_space<vmem>>
      %dma_wait3A_534 = arith.constant 0 : i32
      %dma_wait3A_535 = tpu.memref_slice %arg8[%add3A_312, %dma_wait3A_534] : memref<26x128xi32, #tpu.memory_space<vmem>> -> memref<1x128xi32, #tpu.memory_space<vmem>>
      %dma_wait3A_536 = tpu.memref_squeeze %dma_wait3A_535 : memref<1x128xi32, #tpu.memory_space<vmem>> -> memref<128xi32, #tpu.memory_space<vmem>>
      %dma_wait3A_537 = arith.constant 0 : i32
      %dma_wait3A_538 = arith.constant 0 : i32
      %dma_wait3A_539 = tpu.memref_slice %arg4[%dma_wait3A_537, %dma_wait3A_538] : memref<62500x16xf32, #tpu.memory_space<hbm>> -> memref<62500x16xf32, #tpu.memory_space<hbm>>
      tpu.wait_indirect_dma semaphore(%arg12 : memref<!tpu.dma_semaphore, #tpu.memory_space<semaphore_mem>>) src(%dma_wait3A_539 : memref<62500x16xf32, #tpu.memory_space<hbm>>) dst(%dma_wait3A_533 : memref<128x16xf32, #tpu.memory_space<vmem>>)
    }
    %scan3A_9 = arith.constant 2 : i32
    %mul3A_10 = arith.constant 128 : i32
    %mul3A_11 = arith.muli %add3A, %mul3A_10 : i32
    %scan3A_12 = arith.constant 0 : i32
    %scan3A_13 = arith.constant 26 : i32
    %scan3A_14 = arith.addi %scan3A_12, %scan3A_13 : i32
    %scan3A_15 = arith.constant 1 : i32
    scf.for %scan3A_17 = %scan3A_12 to %scan3A_14 step %scan3A_15  : i32 {
      %mul3A_18 = arith.constant 1 : i32
      %mul3A_19 = arith.muli %scan3A_17, %mul3A_18 : i32
      %add3A_20 = arith.constant 0 : i32
      %add3A_21 = arith.addi %add3A_20, %mul3A_19 : i32
      %mul3A_22 = arith.constant 16 : i32
      %mul3A_23 = arith.muli %add3A_21, %mul3A_22 : i32
      %mul3A_24 = arith.constant 128 : i32
      %mul3A_25 = arith.muli %add3A_21, %mul3A_24 : i32
      "tpu.region"() ({
        %run_scoped3A = tpu.sem_alloc : memref<!tpu.dma_semaphore, #tpu.memory_space<semaphore_mem>>
        %dma_start3A = arith.constant 0 : i32
        %dma_start3A_28 = tpu.memref_slice %arg9[%mul3A_25, %dma_start3A] : memref<3328x16xf32, #tpu.memory_space<vmem>> -> memref<128x16xf32, #tpu.memory_space<vmem>>
        %dma_start3A_29 = tpu.memref_slice %arg5[%mul3A_11, %mul3A_23] : memref<4096x512xf32, #tpu.memory_space<hbm>> -> memref<128x16xf32, #tpu.memory_space<hbm>>
        %dma_start3A_30 = tpu.memref_slice %arg5[%mul3A_11, %mul3A_23] : memref<4096x512xf32, #tpu.memory_space<hbm>> -> memref<128x16xf32, #tpu.memory_space<hbm>>
        %dma_start3A_31 = arith.constant 0 : i32
        %dma_start3A_32 = tpu.memref_slice %arg9[%mul3A_25, %dma_start3A_31] : memref<3328x16xf32, #tpu.memory_space<vmem>> -> memref<128x16xf32, #tpu.memory_space<vmem>>
        tpu.enqueue_dma source(%dma_start3A_32 : memref<128x16xf32, #tpu.memory_space<vmem>>) target(%dma_start3A_30 : memref<128x16xf32, #tpu.memory_space<hbm>>) target_semaphore(%run_scoped3A : memref<!tpu.dma_semaphore, #tpu.memory_space<semaphore_mem>>)
        %dma_wait3A = arith.constant 0 : i32
        %dma_wait3A_33 = tpu.memref_slice %arg9[%mul3A_25, %dma_wait3A] : memref<3328x16xf32, #tpu.memory_space<vmem>> -> memref<128x16xf32, #tpu.memory_space<vmem>>
        %dma_wait3A_34 = tpu.memref_slice %arg5[%mul3A_11, %mul3A_23] : memref<4096x512xf32, #tpu.memory_space<hbm>> -> memref<128x16xf32, #tpu.memory_space<hbm>>
        %dma_wait3A_35 = tpu.memref_slice %arg5[%mul3A_11, %mul3A_23] : memref<4096x512xf32, #tpu.memory_space<hbm>> -> memref<128x16xf32, #tpu.memory_space<hbm>>
        %dma_wait3A_36 = arith.constant 0 : i32
        %dma_wait3A_37 = tpu.memref_slice %arg9[%mul3A_25, %dma_wait3A_36] : memref<3328x16xf32, #tpu.memory_space<vmem>> -> memref<128x16xf32, #tpu.memory_space<vmem>>
        tpu.wait_dma2 semaphore(%run_scoped3A : memref<!tpu.dma_semaphore, #tpu.memory_space<semaphore_mem>>) src(%dma_wait3A_37 : memref<128x16xf32, #tpu.memory_space<vmem>>) dst(%dma_wait3A_35 : memref<128x16xf32, #tpu.memory_space<hbm>>)
        tpu.yield
      }) : () -> ()
      %mul3A_26 = arith.constant 128 : i32
      %mul3A_27 = arith.muli %add3A_21, %mul3A_26 : i32
      "tpu.region"() ({
        %run_scoped3A = tpu.sem_alloc : memref<!tpu.dma_semaphore, #tpu.memory_space<semaphore_mem>>
        %dma_start3A = arith.constant 0 : i32
        %dma_start3A_28 = tpu.memref_slice %arg10[%mul3A_27, %dma_start3A] : memref<3328x16xf32, #tpu.memory_space<vmem>> -> memref<128x16xf32, #tpu.memory_space<vmem>>
        %dma_start3A_29 = tpu.memref_slice %arg6[%mul3A_11, %mul3A_23] : memref<4096x512xf32, #tpu.memory_space<hbm>> -> memref<128x16xf32, #tpu.memory_space<hbm>>
        %dma_start3A_30 = tpu.memref_slice %arg6[%mul3A_11, %mul3A_23] : memref<4096x512xf32, #tpu.memory_space<hbm>> -> memref<128x16xf32, #tpu.memory_space<hbm>>
        %dma_start3A_31 = arith.constant 0 : i32
        %dma_start3A_32 = tpu.memref_slice %arg10[%mul3A_27, %dma_start3A_31] : memref<3328x16xf32, #tpu.memory_space<vmem>> -> memref<128x16xf32, #tpu.memory_space<vmem>>
        tpu.enqueue_dma source(%dma_start3A_32 : memref<128x16xf32, #tpu.memory_space<vmem>>) target(%dma_start3A_30 : memref<128x16xf32, #tpu.memory_space<hbm>>) target_semaphore(%run_scoped3A : memref<!tpu.dma_semaphore, #tpu.memory_space<semaphore_mem>>)
        %dma_wait3A = arith.constant 0 : i32
        %dma_wait3A_33 = tpu.memref_slice %arg10[%mul3A_27, %dma_wait3A] : memref<3328x16xf32, #tpu.memory_space<vmem>> -> memref<128x16xf32, #tpu.memory_space<vmem>>
        %dma_wait3A_34 = tpu.memref_slice %arg6[%mul3A_11, %mul3A_23] : memref<4096x512xf32, #tpu.memory_space<hbm>> -> memref<128x16xf32, #tpu.memory_space<hbm>>
        %dma_wait3A_35 = tpu.memref_slice %arg6[%mul3A_11, %mul3A_23] : memref<4096x512xf32, #tpu.memory_space<hbm>> -> memref<128x16xf32, #tpu.memory_space<hbm>>
        %dma_wait3A_36 = arith.constant 0 : i32
        %dma_wait3A_37 = tpu.memref_slice %arg10[%mul3A_27, %dma_wait3A_36] : memref<3328x16xf32, #tpu.memory_space<vmem>> -> memref<128x16xf32, #tpu.memory_space<vmem>>
        tpu.wait_dma2 semaphore(%run_scoped3A : memref<!tpu.dma_semaphore, #tpu.memory_space<semaphore_mem>>) src(%dma_wait3A_37 : memref<128x16xf32, #tpu.memory_space<vmem>>) dst(%dma_wait3A_35 : memref<128x16xf32, #tpu.memory_space<hbm>>)
        tpu.yield
      }) : () -> ()
    }
    %scan3A_16 = arith.constant 26 : i32
    return
  }
}

module attributes {stable_mosaic.version = 14 : i64} {
  func.func @_tc_body(%arg0: i32, %arg1: memref<1x3xf32, #tpu.memory_space<smem>>, %arg2: memref<512x512xf32, #tpu.memory_space<vmem>>, %arg3: memref<512x512xf32, #tpu.memory_space<vmem>>, %arg4: memref<512x26xi32, #tpu.memory_space<vmem>>, %arg5: memref<512xf32, #tpu.memory_space<vmem>>) attributes {dimension_semantics = [#tpu.dimension_semantics<arbitrary>], iteration_bounds = array<i64: 8>, scalar_prefetch = 0 : i64, scratch_operands = 0 : i64, tpu.core_type = #tpu.core_type<tc>, window_params = [{transform_indices = @transform_0, window_bounds = array<i64: 1, 3>}, {transform_indices = @transform_1, window_bounds = array<i64: 512, 512>}, {transform_indices = @transform_2, window_bounds = array<i64: 512, 512>}, {transform_indices = @transform_3, window_bounds = array<i64: 512, 26>}, {transform_indices = @transform_4, window_bounds = array<i64: 512>}]} {
    %get3A = arith.constant 0 : index
    %get3A_0 = arith.constant 0 : index
    %get3A_1 = memref.load %arg1[%get3A, %get3A_0] : memref<1x3xf32, #tpu.memory_space<smem>>
    %get3A_2 = arith.constant 0 : index
    %get3A_3 = arith.constant 1 : index
    %get3A_4 = memref.load %arg1[%get3A_2, %get3A_3] : memref<1x3xf32, #tpu.memory_space<smem>>
    %get3A_5 = arith.constant 0 : index
    %get3A_6 = arith.constant 2 : index
    %get3A_7 = memref.load %arg1[%get3A_5, %get3A_6] : memref<1x3xf32, #tpu.memory_space<smem>>
    %get3A_8 = arith.constant 0 : index
    %get3A_9 = arith.constant 0 : index
    %get3A_10 = vector.load %arg2[%get3A_8, %get3A_9] : memref<512x512xf32, #tpu.memory_space<vmem>>, vector<512x416xf32>
    %transpose3A = tpu.transpose %get3A_10, [1, 0] : vector<512x416xf32> -> vector<416x512xf32>
    %reshape3A = vector.shape_cast %transpose3A : vector<416x512xf32> to vector<26x16x512xf32>
    %mul3A = arith.mulf %reshape3A, %reshape3A : vector<26x16x512xf32>
    %reduce_sum3A = arith.constant dense<0.000000e+00> : vector<26x512xf32>
    %reduce_sum3A_11 = vector.multi_reduction <add>, %mul3A, %reduce_sum3A [1] : vector<26x16x512xf32> to vector<26x512xf32>
    %jit3A = arith.constant 0.000000e+00 : f32
    %jit3A_12 = arith.constant 0.999989986 : f32
    %max3A = vector.broadcast %jit3A : f32 to vector<26x512xf32>
    %max3A_13 = arith.maximumf %max3A, %reduce_sum3A_11 : vector<26x512xf32>
    %min3A = vector.broadcast %jit3A_12 : f32 to vector<26x512xf32>
    %min3A_14 = arith.minimumf %min3A, %max3A_13 : vector<26x512xf32>
    %sub3A = arith.constant 1.000000e+00 : f32
    %sub3A_15 = vector.broadcast %sub3A : f32 to vector<26x512xf32>
    %sub3A_16 = arith.subf %sub3A_15, %min3A_14 : vector<26x512xf32>
    %broadcast_in_dim3A = arith.constant 0.000000e+00 : f32
    %broadcast_in_dim3A_17 = vector.broadcast %broadcast_in_dim3A : f32 to vector<26x512xf32>
    %slice3A = vector.extract_strided_slice %transpose3A {offsets = [16, 0], sizes = [400, 512], strides = [1, 1]} : vector<416x512xf32> to vector<400x512xf32>
    %slice3A_18 = vector.extract_strided_slice %transpose3A {offsets = [0, 0], sizes = [16, 512], strides = [1, 1]} : vector<416x512xf32> to vector<16x512xf32>
    %concatenate3A = tpu.concatenate %slice3A, %slice3A_18 in 0 : vector<400x512xf32>, vector<16x512xf32> -> vector<416x512xf32>
    %slice3A_19 = vector.extract_strided_slice %sub3A_16 {offsets = [1, 0], sizes = [25, 512], strides = [1, 1]} : vector<26x512xf32> to vector<25x512xf32>
    %slice3A_20 = vector.extract_strided_slice %sub3A_16 {offsets = [0, 0], sizes = [1, 512], strides = [1, 1]} : vector<26x512xf32> to vector<1x512xf32>
    %concatenate3A_21 = tpu.concatenate %slice3A_19, %slice3A_20 in 0 : vector<25x512xf32>, vector<1x512xf32> -> vector<26x512xf32>
    %reshape3A_22 = vector.shape_cast %concatenate3A : vector<416x512xf32> to vector<26x16x512xf32>
    %sub3A_23 = arith.subf %reshape3A, %reshape3A_22 : vector<26x16x512xf32>
    %mul3A_24 = arith.mulf %sub3A_23, %sub3A_23 : vector<26x16x512xf32>
    %reduce_sum3A_25 = arith.constant dense<0.000000e+00> : vector<26x512xf32>
    %reduce_sum3A_26 = vector.multi_reduction <add>, %mul3A_24, %reduce_sum3A_25 [1] : vector<26x16x512xf32> to vector<26x512xf32>
    %mul3A_27 = arith.mulf %sub3A_16, %concatenate3A_21 : vector<26x512xf32>
    %div3A = arith.divf %reduce_sum3A_26, %mul3A_27 : vector<26x512xf32>
    %mul3A_28 = arith.constant 2.000000e+00 : f32
    %mul3A_29 = vector.broadcast %mul3A_28 : f32 to vector<26x512xf32>
    %mul3A_30 = arith.mulf %div3A, %mul3A_29 : vector<26x512xf32>
    %add3A = arith.constant 1.000000e+00 : f32
    %add3A_31 = vector.broadcast %add3A : f32 to vector<26x512xf32>
    %add3A_32 = arith.addf %mul3A_30, %add3A_31 : vector<26x512xf32>
    %mul3A_33 = arith.mulf %add3A_32, %add3A_32 : vector<26x512xf32>
    %sub3A_34 = arith.constant 1.000000e+00 : f32
    %sub3A_35 = vector.broadcast %sub3A_34 : f32 to vector<26x512xf32>
    %sub3A_36 = arith.subf %mul3A_33, %sub3A_35 : vector<26x512xf32>
    %max3A_37 = arith.constant 0.000000e+00 : f32
    %max3A_38 = vector.broadcast %max3A_37 : f32 to vector<26x512xf32>
    %max3A_39 = arith.maximumf %sub3A_36, %max3A_38 : vector<26x512xf32>
    %sqrt3A = math.sqrt %max3A_39 : vector<26x512xf32>
    %add3A_40 = arith.addf %add3A_32, %sqrt3A : vector<26x512xf32>
    %log3A = math.log %add3A_40 : vector<26x512xf32>
    %add3A_41 = arith.addf %broadcast_in_dim3A_17, %log3A : vector<26x512xf32>
    %slice3A_42 = vector.extract_strided_slice %transpose3A {offsets = [32, 0], sizes = [384, 512], strides = [1, 1]} : vector<416x512xf32> to vector<384x512xf32>
    %slice3A_43 = vector.extract_strided_slice %transpose3A {offsets = [0, 0], sizes = [32, 512], strides = [1, 1]} : vector<416x512xf32> to vector<32x512xf32>
    %concatenate3A_44 = tpu.concatenate %slice3A_42, %slice3A_43 in 0 : vector<384x512xf32>, vector<32x512xf32> -> vector<416x512xf32>
    %slice3A_45 = vector.extract_strided_slice %sub3A_16 {offsets = [2, 0], sizes = [24, 512], strides = [1, 1]} : vector<26x512xf32> to vector<24x512xf32>
    %slice3A_46 = vector.extract_strided_slice %sub3A_16 {offsets = [0, 0], sizes = [2, 512], strides = [1, 1]} : vector<26x512xf32> to vector<2x512xf32>
    %concatenate3A_47 = tpu.concatenate %slice3A_45, %slice3A_46 in 0 : vector<24x512xf32>, vector<2x512xf32> -> vector<26x512xf32>
    %reshape3A_48 = vector.shape_cast %concatenate3A_44 : vector<416x512xf32> to vector<26x16x512xf32>
    %sub3A_49 = arith.subf %reshape3A, %reshape3A_48 : vector<26x16x512xf32>
    %mul3A_50 = arith.mulf %sub3A_49, %sub3A_49 : vector<26x16x512xf32>
    %reduce_sum3A_51 = arith.constant dense<0.000000e+00> : vector<26x512xf32>
    %reduce_sum3A_52 = vector.multi_reduction <add>, %mul3A_50, %reduce_sum3A_51 [1] : vector<26x16x512xf32> to vector<26x512xf32>
    %mul3A_53 = arith.mulf %sub3A_16, %concatenate3A_47 : vector<26x512xf32>
    %div3A_54 = arith.divf %reduce_sum3A_52, %mul3A_53 : vector<26x512xf32>
    %mul3A_55 = arith.constant 2.000000e+00 : f32
    %mul3A_56 = vector.broadcast %mul3A_55 : f32 to vector<26x512xf32>
    %mul3A_57 = arith.mulf %div3A_54, %mul3A_56 : vector<26x512xf32>
    %add3A_58 = arith.constant 1.000000e+00 : f32
    %add3A_59 = vector.broadcast %add3A_58 : f32 to vector<26x512xf32>
    %add3A_60 = arith.addf %mul3A_57, %add3A_59 : vector<26x512xf32>
    %mul3A_61 = arith.mulf %add3A_60, %add3A_60 : vector<26x512xf32>
    %sub3A_62 = arith.constant 1.000000e+00 : f32
    %sub3A_63 = vector.broadcast %sub3A_62 : f32 to vector<26x512xf32>
    %sub3A_64 = arith.subf %mul3A_61, %sub3A_63 : vector<26x512xf32>
    %max3A_65 = arith.constant 0.000000e+00 : f32
    %max3A_66 = vector.broadcast %max3A_65 : f32 to vector<26x512xf32>
    %max3A_67 = arith.maximumf %sub3A_64, %max3A_66 : vector<26x512xf32>
    %sqrt3A_68 = math.sqrt %max3A_67 : vector<26x512xf32>
    %add3A_69 = arith.addf %add3A_60, %sqrt3A_68 : vector<26x512xf32>
    %log3A_70 = math.log %add3A_69 : vector<26x512xf32>
    %add3A_71 = arith.addf %add3A_41, %log3A_70 : vector<26x512xf32>
    %slice3A_72 = vector.extract_strided_slice %transpose3A {offsets = [48, 0], sizes = [368, 512], strides = [1, 1]} : vector<416x512xf32> to vector<368x512xf32>
    %slice3A_73 = vector.extract_strided_slice %transpose3A {offsets = [0, 0], sizes = [48, 512], strides = [1, 1]} : vector<416x512xf32> to vector<48x512xf32>
    %concatenate3A_74 = tpu.concatenate %slice3A_72, %slice3A_73 in 0 : vector<368x512xf32>, vector<48x512xf32> -> vector<416x512xf32>
    %slice3A_75 = vector.extract_strided_slice %sub3A_16 {offsets = [3, 0], sizes = [23, 512], strides = [1, 1]} : vector<26x512xf32> to vector<23x512xf32>
    %slice3A_76 = vector.extract_strided_slice %sub3A_16 {offsets = [0, 0], sizes = [3, 512], strides = [1, 1]} : vector<26x512xf32> to vector<3x512xf32>
    %concatenate3A_77 = tpu.concatenate %slice3A_75, %slice3A_76 in 0 : vector<23x512xf32>, vector<3x512xf32> -> vector<26x512xf32>
    %reshape3A_78 = vector.shape_cast %concatenate3A_74 : vector<416x512xf32> to vector<26x16x512xf32>
    %sub3A_79 = arith.subf %reshape3A, %reshape3A_78 : vector<26x16x512xf32>
    %mul3A_80 = arith.mulf %sub3A_79, %sub3A_79 : vector<26x16x512xf32>
    %reduce_sum3A_81 = arith.constant dense<0.000000e+00> : vector<26x512xf32>
    %reduce_sum3A_82 = vector.multi_reduction <add>, %mul3A_80, %reduce_sum3A_81 [1] : vector<26x16x512xf32> to vector<26x512xf32>
    %mul3A_83 = arith.mulf %sub3A_16, %concatenate3A_77 : vector<26x512xf32>
    %div3A_84 = arith.divf %reduce_sum3A_82, %mul3A_83 : vector<26x512xf32>
    %mul3A_85 = arith.constant 2.000000e+00 : f32
    %mul3A_86 = vector.broadcast %mul3A_85 : f32 to vector<26x512xf32>
    %mul3A_87 = arith.mulf %div3A_84, %mul3A_86 : vector<26x512xf32>
    %add3A_88 = arith.constant 1.000000e+00 : f32
    %add3A_89 = vector.broadcast %add3A_88 : f32 to vector<26x512xf32>
    %add3A_90 = arith.addf %mul3A_87, %add3A_89 : vector<26x512xf32>
    %mul3A_91 = arith.mulf %add3A_90, %add3A_90 : vector<26x512xf32>
    %sub3A_92 = arith.constant 1.000000e+00 : f32
    %sub3A_93 = vector.broadcast %sub3A_92 : f32 to vector<26x512xf32>
    %sub3A_94 = arith.subf %mul3A_91, %sub3A_93 : vector<26x512xf32>
    %max3A_95 = arith.constant 0.000000e+00 : f32
    %max3A_96 = vector.broadcast %max3A_95 : f32 to vector<26x512xf32>
    %max3A_97 = arith.maximumf %sub3A_94, %max3A_96 : vector<26x512xf32>
    %sqrt3A_98 = math.sqrt %max3A_97 : vector<26x512xf32>
    %add3A_99 = arith.addf %add3A_90, %sqrt3A_98 : vector<26x512xf32>
    %log3A_100 = math.log %add3A_99 : vector<26x512xf32>
    %add3A_101 = arith.addf %add3A_71, %log3A_100 : vector<26x512xf32>
    %slice3A_102 = vector.extract_strided_slice %transpose3A {offsets = [64, 0], sizes = [352, 512], strides = [1, 1]} : vector<416x512xf32> to vector<352x512xf32>
    %slice3A_103 = vector.extract_strided_slice %transpose3A {offsets = [0, 0], sizes = [64, 512], strides = [1, 1]} : vector<416x512xf32> to vector<64x512xf32>
    %concatenate3A_104 = tpu.concatenate %slice3A_102, %slice3A_103 in 0 : vector<352x512xf32>, vector<64x512xf32> -> vector<416x512xf32>
    %slice3A_105 = vector.extract_strided_slice %sub3A_16 {offsets = [4, 0], sizes = [22, 512], strides = [1, 1]} : vector<26x512xf32> to vector<22x512xf32>
    %slice3A_106 = vector.extract_strided_slice %sub3A_16 {offsets = [0, 0], sizes = [4, 512], strides = [1, 1]} : vector<26x512xf32> to vector<4x512xf32>
    %concatenate3A_107 = tpu.concatenate %slice3A_105, %slice3A_106 in 0 : vector<22x512xf32>, vector<4x512xf32> -> vector<26x512xf32>
    %reshape3A_108 = vector.shape_cast %concatenate3A_104 : vector<416x512xf32> to vector<26x16x512xf32>
    %sub3A_109 = arith.subf %reshape3A, %reshape3A_108 : vector<26x16x512xf32>
    %mul3A_110 = arith.mulf %sub3A_109, %sub3A_109 : vector<26x16x512xf32>
    %reduce_sum3A_111 = arith.constant dense<0.000000e+00> : vector<26x512xf32>
    %reduce_sum3A_112 = vector.multi_reduction <add>, %mul3A_110, %reduce_sum3A_111 [1] : vector<26x16x512xf32> to vector<26x512xf32>
    %mul3A_113 = arith.mulf %sub3A_16, %concatenate3A_107 : vector<26x512xf32>
    %div3A_114 = arith.divf %reduce_sum3A_112, %mul3A_113 : vector<26x512xf32>
    %mul3A_115 = arith.constant 2.000000e+00 : f32
    %mul3A_116 = vector.broadcast %mul3A_115 : f32 to vector<26x512xf32>
    %mul3A_117 = arith.mulf %div3A_114, %mul3A_116 : vector<26x512xf32>
    %add3A_118 = arith.constant 1.000000e+00 : f32
    %add3A_119 = vector.broadcast %add3A_118 : f32 to vector<26x512xf32>
    %add3A_120 = arith.addf %mul3A_117, %add3A_119 : vector<26x512xf32>
    %mul3A_121 = arith.mulf %add3A_120, %add3A_120 : vector<26x512xf32>
    %sub3A_122 = arith.constant 1.000000e+00 : f32
    %sub3A_123 = vector.broadcast %sub3A_122 : f32 to vector<26x512xf32>
    %sub3A_124 = arith.subf %mul3A_121, %sub3A_123 : vector<26x512xf32>
    %max3A_125 = arith.constant 0.000000e+00 : f32
    %max3A_126 = vector.broadcast %max3A_125 : f32 to vector<26x512xf32>
    %max3A_127 = arith.maximumf %sub3A_124, %max3A_126 : vector<26x512xf32>
    %sqrt3A_128 = math.sqrt %max3A_127 : vector<26x512xf32>
    %add3A_129 = arith.addf %add3A_120, %sqrt3A_128 : vector<26x512xf32>
    %log3A_130 = math.log %add3A_129 : vector<26x512xf32>
    %add3A_131 = arith.addf %add3A_101, %log3A_130 : vector<26x512xf32>
    %slice3A_132 = vector.extract_strided_slice %transpose3A {offsets = [80, 0], sizes = [336, 512], strides = [1, 1]} : vector<416x512xf32> to vector<336x512xf32>
    %slice3A_133 = vector.extract_strided_slice %transpose3A {offsets = [0, 0], sizes = [80, 512], strides = [1, 1]} : vector<416x512xf32> to vector<80x512xf32>
    %concatenate3A_134 = tpu.concatenate %slice3A_132, %slice3A_133 in 0 : vector<336x512xf32>, vector<80x512xf32> -> vector<416x512xf32>
    %slice3A_135 = vector.extract_strided_slice %sub3A_16 {offsets = [5, 0], sizes = [21, 512], strides = [1, 1]} : vector<26x512xf32> to vector<21x512xf32>
    %slice3A_136 = vector.extract_strided_slice %sub3A_16 {offsets = [0, 0], sizes = [5, 512], strides = [1, 1]} : vector<26x512xf32> to vector<5x512xf32>
    %concatenate3A_137 = tpu.concatenate %slice3A_135, %slice3A_136 in 0 : vector<21x512xf32>, vector<5x512xf32> -> vector<26x512xf32>
    %reshape3A_138 = vector.shape_cast %concatenate3A_134 : vector<416x512xf32> to vector<26x16x512xf32>
    %sub3A_139 = arith.subf %reshape3A, %reshape3A_138 : vector<26x16x512xf32>
    %mul3A_140 = arith.mulf %sub3A_139, %sub3A_139 : vector<26x16x512xf32>
    %reduce_sum3A_141 = arith.constant dense<0.000000e+00> : vector<26x512xf32>
    %reduce_sum3A_142 = vector.multi_reduction <add>, %mul3A_140, %reduce_sum3A_141 [1] : vector<26x16x512xf32> to vector<26x512xf32>
    %mul3A_143 = arith.mulf %sub3A_16, %concatenate3A_137 : vector<26x512xf32>
    %div3A_144 = arith.divf %reduce_sum3A_142, %mul3A_143 : vector<26x512xf32>
    %mul3A_145 = arith.constant 2.000000e+00 : f32
    %mul3A_146 = vector.broadcast %mul3A_145 : f32 to vector<26x512xf32>
    %mul3A_147 = arith.mulf %div3A_144, %mul3A_146 : vector<26x512xf32>
    %add3A_148 = arith.constant 1.000000e+00 : f32
    %add3A_149 = vector.broadcast %add3A_148 : f32 to vector<26x512xf32>
    %add3A_150 = arith.addf %mul3A_147, %add3A_149 : vector<26x512xf32>
    %mul3A_151 = arith.mulf %add3A_150, %add3A_150 : vector<26x512xf32>
    %sub3A_152 = arith.constant 1.000000e+00 : f32
    %sub3A_153 = vector.broadcast %sub3A_152 : f32 to vector<26x512xf32>
    %sub3A_154 = arith.subf %mul3A_151, %sub3A_153 : vector<26x512xf32>
    %max3A_155 = arith.constant 0.000000e+00 : f32
    %max3A_156 = vector.broadcast %max3A_155 : f32 to vector<26x512xf32>
    %max3A_157 = arith.maximumf %sub3A_154, %max3A_156 : vector<26x512xf32>
    %sqrt3A_158 = math.sqrt %max3A_157 : vector<26x512xf32>
    %add3A_159 = arith.addf %add3A_150, %sqrt3A_158 : vector<26x512xf32>
    %log3A_160 = math.log %add3A_159 : vector<26x512xf32>
    %add3A_161 = arith.addf %add3A_131, %log3A_160 : vector<26x512xf32>
    %slice3A_162 = vector.extract_strided_slice %transpose3A {offsets = [96, 0], sizes = [320, 512], strides = [1, 1]} : vector<416x512xf32> to vector<320x512xf32>
    %slice3A_163 = vector.extract_strided_slice %transpose3A {offsets = [0, 0], sizes = [96, 512], strides = [1, 1]} : vector<416x512xf32> to vector<96x512xf32>
    %concatenate3A_164 = tpu.concatenate %slice3A_162, %slice3A_163 in 0 : vector<320x512xf32>, vector<96x512xf32> -> vector<416x512xf32>
    %slice3A_165 = vector.extract_strided_slice %sub3A_16 {offsets = [6, 0], sizes = [20, 512], strides = [1, 1]} : vector<26x512xf32> to vector<20x512xf32>
    %slice3A_166 = vector.extract_strided_slice %sub3A_16 {offsets = [0, 0], sizes = [6, 512], strides = [1, 1]} : vector<26x512xf32> to vector<6x512xf32>
    %concatenate3A_167 = tpu.concatenate %slice3A_165, %slice3A_166 in 0 : vector<20x512xf32>, vector<6x512xf32> -> vector<26x512xf32>
    %reshape3A_168 = vector.shape_cast %concatenate3A_164 : vector<416x512xf32> to vector<26x16x512xf32>
    %sub3A_169 = arith.subf %reshape3A, %reshape3A_168 : vector<26x16x512xf32>
    %mul3A_170 = arith.mulf %sub3A_169, %sub3A_169 : vector<26x16x512xf32>
    %reduce_sum3A_171 = arith.constant dense<0.000000e+00> : vector<26x512xf32>
    %reduce_sum3A_172 = vector.multi_reduction <add>, %mul3A_170, %reduce_sum3A_171 [1] : vector<26x16x512xf32> to vector<26x512xf32>
    %mul3A_173 = arith.mulf %sub3A_16, %concatenate3A_167 : vector<26x512xf32>
    %div3A_174 = arith.divf %reduce_sum3A_172, %mul3A_173 : vector<26x512xf32>
    %mul3A_175 = arith.constant 2.000000e+00 : f32
    %mul3A_176 = vector.broadcast %mul3A_175 : f32 to vector<26x512xf32>
    %mul3A_177 = arith.mulf %div3A_174, %mul3A_176 : vector<26x512xf32>
    %add3A_178 = arith.constant 1.000000e+00 : f32
    %add3A_179 = vector.broadcast %add3A_178 : f32 to vector<26x512xf32>
    %add3A_180 = arith.addf %mul3A_177, %add3A_179 : vector<26x512xf32>
    %mul3A_181 = arith.mulf %add3A_180, %add3A_180 : vector<26x512xf32>
    %sub3A_182 = arith.constant 1.000000e+00 : f32
    %sub3A_183 = vector.broadcast %sub3A_182 : f32 to vector<26x512xf32>
    %sub3A_184 = arith.subf %mul3A_181, %sub3A_183 : vector<26x512xf32>
    %max3A_185 = arith.constant 0.000000e+00 : f32
    %max3A_186 = vector.broadcast %max3A_185 : f32 to vector<26x512xf32>
    %max3A_187 = arith.maximumf %sub3A_184, %max3A_186 : vector<26x512xf32>
    %sqrt3A_188 = math.sqrt %max3A_187 : vector<26x512xf32>
    %add3A_189 = arith.addf %add3A_180, %sqrt3A_188 : vector<26x512xf32>
    %log3A_190 = math.log %add3A_189 : vector<26x512xf32>
    %add3A_191 = arith.addf %add3A_161, %log3A_190 : vector<26x512xf32>
    %slice3A_192 = vector.extract_strided_slice %transpose3A {offsets = [112, 0], sizes = [304, 512], strides = [1, 1]} : vector<416x512xf32> to vector<304x512xf32>
    %slice3A_193 = vector.extract_strided_slice %transpose3A {offsets = [0, 0], sizes = [112, 512], strides = [1, 1]} : vector<416x512xf32> to vector<112x512xf32>
    %concatenate3A_194 = tpu.concatenate %slice3A_192, %slice3A_193 in 0 : vector<304x512xf32>, vector<112x512xf32> -> vector<416x512xf32>
    %slice3A_195 = vector.extract_strided_slice %sub3A_16 {offsets = [7, 0], sizes = [19, 512], strides = [1, 1]} : vector<26x512xf32> to vector<19x512xf32>
    %slice3A_196 = vector.extract_strided_slice %sub3A_16 {offsets = [0, 0], sizes = [7, 512], strides = [1, 1]} : vector<26x512xf32> to vector<7x512xf32>
    %concatenate3A_197 = tpu.concatenate %slice3A_195, %slice3A_196 in 0 : vector<19x512xf32>, vector<7x512xf32> -> vector<26x512xf32>
    %reshape3A_198 = vector.shape_cast %concatenate3A_194 : vector<416x512xf32> to vector<26x16x512xf32>
    %sub3A_199 = arith.subf %reshape3A, %reshape3A_198 : vector<26x16x512xf32>
    %mul3A_200 = arith.mulf %sub3A_199, %sub3A_199 : vector<26x16x512xf32>
    %reduce_sum3A_201 = arith.constant dense<0.000000e+00> : vector<26x512xf32>
    %reduce_sum3A_202 = vector.multi_reduction <add>, %mul3A_200, %reduce_sum3A_201 [1] : vector<26x16x512xf32> to vector<26x512xf32>
    %mul3A_203 = arith.mulf %sub3A_16, %concatenate3A_197 : vector<26x512xf32>
    %div3A_204 = arith.divf %reduce_sum3A_202, %mul3A_203 : vector<26x512xf32>
    %mul3A_205 = arith.constant 2.000000e+00 : f32
    %mul3A_206 = vector.broadcast %mul3A_205 : f32 to vector<26x512xf32>
    %mul3A_207 = arith.mulf %div3A_204, %mul3A_206 : vector<26x512xf32>
    %add3A_208 = arith.constant 1.000000e+00 : f32
    %add3A_209 = vector.broadcast %add3A_208 : f32 to vector<26x512xf32>
    %add3A_210 = arith.addf %mul3A_207, %add3A_209 : vector<26x512xf32>
    %mul3A_211 = arith.mulf %add3A_210, %add3A_210 : vector<26x512xf32>
    %sub3A_212 = arith.constant 1.000000e+00 : f32
    %sub3A_213 = vector.broadcast %sub3A_212 : f32 to vector<26x512xf32>
    %sub3A_214 = arith.subf %mul3A_211, %sub3A_213 : vector<26x512xf32>
    %max3A_215 = arith.constant 0.000000e+00 : f32
    %max3A_216 = vector.broadcast %max3A_215 : f32 to vector<26x512xf32>
    %max3A_217 = arith.maximumf %sub3A_214, %max3A_216 : vector<26x512xf32>
    %sqrt3A_218 = math.sqrt %max3A_217 : vector<26x512xf32>
    %add3A_219 = arith.addf %add3A_210, %sqrt3A_218 : vector<26x512xf32>
    %log3A_220 = math.log %add3A_219 : vector<26x512xf32>
    %add3A_221 = arith.addf %add3A_191, %log3A_220 : vector<26x512xf32>
    %slice3A_222 = vector.extract_strided_slice %transpose3A {offsets = [128, 0], sizes = [288, 512], strides = [1, 1]} : vector<416x512xf32> to vector<288x512xf32>
    %slice3A_223 = vector.extract_strided_slice %transpose3A {offsets = [0, 0], sizes = [128, 512], strides = [1, 1]} : vector<416x512xf32> to vector<128x512xf32>
    %concatenate3A_224 = tpu.concatenate %slice3A_222, %slice3A_223 in 0 : vector<288x512xf32>, vector<128x512xf32> -> vector<416x512xf32>
    %slice3A_225 = vector.extract_strided_slice %sub3A_16 {offsets = [8, 0], sizes = [18, 512], strides = [1, 1]} : vector<26x512xf32> to vector<18x512xf32>
    %slice3A_226 = vector.extract_strided_slice %sub3A_16 {offsets = [0, 0], sizes = [8, 512], strides = [1, 1]} : vector<26x512xf32> to vector<8x512xf32>
    %concatenate3A_227 = tpu.concatenate %slice3A_225, %slice3A_226 in 0 : vector<18x512xf32>, vector<8x512xf32> -> vector<26x512xf32>
    %reshape3A_228 = vector.shape_cast %concatenate3A_224 : vector<416x512xf32> to vector<26x16x512xf32>
    %sub3A_229 = arith.subf %reshape3A, %reshape3A_228 : vector<26x16x512xf32>
    %mul3A_230 = arith.mulf %sub3A_229, %sub3A_229 : vector<26x16x512xf32>
    %reduce_sum3A_231 = arith.constant dense<0.000000e+00> : vector<26x512xf32>
    %reduce_sum3A_232 = vector.multi_reduction <add>, %mul3A_230, %reduce_sum3A_231 [1] : vector<26x16x512xf32> to vector<26x512xf32>
    %mul3A_233 = arith.mulf %sub3A_16, %concatenate3A_227 : vector<26x512xf32>
    %div3A_234 = arith.divf %reduce_sum3A_232, %mul3A_233 : vector<26x512xf32>
    %mul3A_235 = arith.constant 2.000000e+00 : f32
    %mul3A_236 = vector.broadcast %mul3A_235 : f32 to vector<26x512xf32>
    %mul3A_237 = arith.mulf %div3A_234, %mul3A_236 : vector<26x512xf32>
    %add3A_238 = arith.constant 1.000000e+00 : f32
    %add3A_239 = vector.broadcast %add3A_238 : f32 to vector<26x512xf32>
    %add3A_240 = arith.addf %mul3A_237, %add3A_239 : vector<26x512xf32>
    %mul3A_241 = arith.mulf %add3A_240, %add3A_240 : vector<26x512xf32>
    %sub3A_242 = arith.constant 1.000000e+00 : f32
    %sub3A_243 = vector.broadcast %sub3A_242 : f32 to vector<26x512xf32>
    %sub3A_244 = arith.subf %mul3A_241, %sub3A_243 : vector<26x512xf32>
    %max3A_245 = arith.constant 0.000000e+00 : f32
    %max3A_246 = vector.broadcast %max3A_245 : f32 to vector<26x512xf32>
    %max3A_247 = arith.maximumf %sub3A_244, %max3A_246 : vector<26x512xf32>
    %sqrt3A_248 = math.sqrt %max3A_247 : vector<26x512xf32>
    %add3A_249 = arith.addf %add3A_240, %sqrt3A_248 : vector<26x512xf32>
    %log3A_250 = math.log %add3A_249 : vector<26x512xf32>
    %add3A_251 = arith.addf %add3A_221, %log3A_250 : vector<26x512xf32>
    %slice3A_252 = vector.extract_strided_slice %transpose3A {offsets = [144, 0], sizes = [272, 512], strides = [1, 1]} : vector<416x512xf32> to vector<272x512xf32>
    %slice3A_253 = vector.extract_strided_slice %transpose3A {offsets = [0, 0], sizes = [144, 512], strides = [1, 1]} : vector<416x512xf32> to vector<144x512xf32>
    %concatenate3A_254 = tpu.concatenate %slice3A_252, %slice3A_253 in 0 : vector<272x512xf32>, vector<144x512xf32> -> vector<416x512xf32>
    %slice3A_255 = vector.extract_strided_slice %sub3A_16 {offsets = [9, 0], sizes = [17, 512], strides = [1, 1]} : vector<26x512xf32> to vector<17x512xf32>
    %slice3A_256 = vector.extract_strided_slice %sub3A_16 {offsets = [0, 0], sizes = [9, 512], strides = [1, 1]} : vector<26x512xf32> to vector<9x512xf32>
    %concatenate3A_257 = tpu.concatenate %slice3A_255, %slice3A_256 in 0 : vector<17x512xf32>, vector<9x512xf32> -> vector<26x512xf32>
    %reshape3A_258 = vector.shape_cast %concatenate3A_254 : vector<416x512xf32> to vector<26x16x512xf32>
    %sub3A_259 = arith.subf %reshape3A, %reshape3A_258 : vector<26x16x512xf32>
    %mul3A_260 = arith.mulf %sub3A_259, %sub3A_259 : vector<26x16x512xf32>
    %reduce_sum3A_261 = arith.constant dense<0.000000e+00> : vector<26x512xf32>
    %reduce_sum3A_262 = vector.multi_reduction <add>, %mul3A_260, %reduce_sum3A_261 [1] : vector<26x16x512xf32> to vector<26x512xf32>
    %mul3A_263 = arith.mulf %sub3A_16, %concatenate3A_257 : vector<26x512xf32>
    %div3A_264 = arith.divf %reduce_sum3A_262, %mul3A_263 : vector<26x512xf32>
    %mul3A_265 = arith.constant 2.000000e+00 : f32
    %mul3A_266 = vector.broadcast %mul3A_265 : f32 to vector<26x512xf32>
    %mul3A_267 = arith.mulf %div3A_264, %mul3A_266 : vector<26x512xf32>
    %add3A_268 = arith.constant 1.000000e+00 : f32
    %add3A_269 = vector.broadcast %add3A_268 : f32 to vector<26x512xf32>
    %add3A_270 = arith.addf %mul3A_267, %add3A_269 : vector<26x512xf32>
    %mul3A_271 = arith.mulf %add3A_270, %add3A_270 : vector<26x512xf32>
    %sub3A_272 = arith.constant 1.000000e+00 : f32
    %sub3A_273 = vector.broadcast %sub3A_272 : f32 to vector<26x512xf32>
    %sub3A_274 = arith.subf %mul3A_271, %sub3A_273 : vector<26x512xf32>
    %max3A_275 = arith.constant 0.000000e+00 : f32
    %max3A_276 = vector.broadcast %max3A_275 : f32 to vector<26x512xf32>
    %max3A_277 = arith.maximumf %sub3A_274, %max3A_276 : vector<26x512xf32>
    %sqrt3A_278 = math.sqrt %max3A_277 : vector<26x512xf32>
    %add3A_279 = arith.addf %add3A_270, %sqrt3A_278 : vector<26x512xf32>
    %log3A_280 = math.log %add3A_279 : vector<26x512xf32>
    %add3A_281 = arith.addf %add3A_251, %log3A_280 : vector<26x512xf32>
    %slice3A_282 = vector.extract_strided_slice %transpose3A {offsets = [160, 0], sizes = [256, 512], strides = [1, 1]} : vector<416x512xf32> to vector<256x512xf32>
    %slice3A_283 = vector.extract_strided_slice %transpose3A {offsets = [0, 0], sizes = [160, 512], strides = [1, 1]} : vector<416x512xf32> to vector<160x512xf32>
    %concatenate3A_284 = tpu.concatenate %slice3A_282, %slice3A_283 in 0 : vector<256x512xf32>, vector<160x512xf32> -> vector<416x512xf32>
    %slice3A_285 = vector.extract_strided_slice %sub3A_16 {offsets = [10, 0], sizes = [16, 512], strides = [1, 1]} : vector<26x512xf32> to vector<16x512xf32>
    %slice3A_286 = vector.extract_strided_slice %sub3A_16 {offsets = [0, 0], sizes = [10, 512], strides = [1, 1]} : vector<26x512xf32> to vector<10x512xf32>
    %concatenate3A_287 = tpu.concatenate %slice3A_285, %slice3A_286 in 0 : vector<16x512xf32>, vector<10x512xf32> -> vector<26x512xf32>
    %reshape3A_288 = vector.shape_cast %concatenate3A_284 : vector<416x512xf32> to vector<26x16x512xf32>
    %sub3A_289 = arith.subf %reshape3A, %reshape3A_288 : vector<26x16x512xf32>
    %mul3A_290 = arith.mulf %sub3A_289, %sub3A_289 : vector<26x16x512xf32>
    %reduce_sum3A_291 = arith.constant dense<0.000000e+00> : vector<26x512xf32>
    %reduce_sum3A_292 = vector.multi_reduction <add>, %mul3A_290, %reduce_sum3A_291 [1] : vector<26x16x512xf32> to vector<26x512xf32>
    %mul3A_293 = arith.mulf %sub3A_16, %concatenate3A_287 : vector<26x512xf32>
    %div3A_294 = arith.divf %reduce_sum3A_292, %mul3A_293 : vector<26x512xf32>
    %mul3A_295 = arith.constant 2.000000e+00 : f32
    %mul3A_296 = vector.broadcast %mul3A_295 : f32 to vector<26x512xf32>
    %mul3A_297 = arith.mulf %div3A_294, %mul3A_296 : vector<26x512xf32>
    %add3A_298 = arith.constant 1.000000e+00 : f32
    %add3A_299 = vector.broadcast %add3A_298 : f32 to vector<26x512xf32>
    %add3A_300 = arith.addf %mul3A_297, %add3A_299 : vector<26x512xf32>
    %mul3A_301 = arith.mulf %add3A_300, %add3A_300 : vector<26x512xf32>
    %sub3A_302 = arith.constant 1.000000e+00 : f32
    %sub3A_303 = vector.broadcast %sub3A_302 : f32 to vector<26x512xf32>
    %sub3A_304 = arith.subf %mul3A_301, %sub3A_303 : vector<26x512xf32>
    %max3A_305 = arith.constant 0.000000e+00 : f32
    %max3A_306 = vector.broadcast %max3A_305 : f32 to vector<26x512xf32>
    %max3A_307 = arith.maximumf %sub3A_304, %max3A_306 : vector<26x512xf32>
    %sqrt3A_308 = math.sqrt %max3A_307 : vector<26x512xf32>
    %add3A_309 = arith.addf %add3A_300, %sqrt3A_308 : vector<26x512xf32>
    %log3A_310 = math.log %add3A_309 : vector<26x512xf32>
    %add3A_311 = arith.addf %add3A_281, %log3A_310 : vector<26x512xf32>
    %slice3A_312 = vector.extract_strided_slice %transpose3A {offsets = [176, 0], sizes = [240, 512], strides = [1, 1]} : vector<416x512xf32> to vector<240x512xf32>
    %slice3A_313 = vector.extract_strided_slice %transpose3A {offsets = [0, 0], sizes = [176, 512], strides = [1, 1]} : vector<416x512xf32> to vector<176x512xf32>
    %concatenate3A_314 = tpu.concatenate %slice3A_312, %slice3A_313 in 0 : vector<240x512xf32>, vector<176x512xf32> -> vector<416x512xf32>
    %slice3A_315 = vector.extract_strided_slice %sub3A_16 {offsets = [11, 0], sizes = [15, 512], strides = [1, 1]} : vector<26x512xf32> to vector<15x512xf32>
    %slice3A_316 = vector.extract_strided_slice %sub3A_16 {offsets = [0, 0], sizes = [11, 512], strides = [1, 1]} : vector<26x512xf32> to vector<11x512xf32>
    %concatenate3A_317 = tpu.concatenate %slice3A_315, %slice3A_316 in 0 : vector<15x512xf32>, vector<11x512xf32> -> vector<26x512xf32>
    %reshape3A_318 = vector.shape_cast %concatenate3A_314 : vector<416x512xf32> to vector<26x16x512xf32>
    %sub3A_319 = arith.subf %reshape3A, %reshape3A_318 : vector<26x16x512xf32>
    %mul3A_320 = arith.mulf %sub3A_319, %sub3A_319 : vector<26x16x512xf32>
    %reduce_sum3A_321 = arith.constant dense<0.000000e+00> : vector<26x512xf32>
    %reduce_sum3A_322 = vector.multi_reduction <add>, %mul3A_320, %reduce_sum3A_321 [1] : vector<26x16x512xf32> to vector<26x512xf32>
    %mul3A_323 = arith.mulf %sub3A_16, %concatenate3A_317 : vector<26x512xf32>
    %div3A_324 = arith.divf %reduce_sum3A_322, %mul3A_323 : vector<26x512xf32>
    %mul3A_325 = arith.constant 2.000000e+00 : f32
    %mul3A_326 = vector.broadcast %mul3A_325 : f32 to vector<26x512xf32>
    %mul3A_327 = arith.mulf %div3A_324, %mul3A_326 : vector<26x512xf32>
    %add3A_328 = arith.constant 1.000000e+00 : f32
    %add3A_329 = vector.broadcast %add3A_328 : f32 to vector<26x512xf32>
    %add3A_330 = arith.addf %mul3A_327, %add3A_329 : vector<26x512xf32>
    %mul3A_331 = arith.mulf %add3A_330, %add3A_330 : vector<26x512xf32>
    %sub3A_332 = arith.constant 1.000000e+00 : f32
    %sub3A_333 = vector.broadcast %sub3A_332 : f32 to vector<26x512xf32>
    %sub3A_334 = arith.subf %mul3A_331, %sub3A_333 : vector<26x512xf32>
    %max3A_335 = arith.constant 0.000000e+00 : f32
    %max3A_336 = vector.broadcast %max3A_335 : f32 to vector<26x512xf32>
    %max3A_337 = arith.maximumf %sub3A_334, %max3A_336 : vector<26x512xf32>
    %sqrt3A_338 = math.sqrt %max3A_337 : vector<26x512xf32>
    %add3A_339 = arith.addf %add3A_330, %sqrt3A_338 : vector<26x512xf32>
    %log3A_340 = math.log %add3A_339 : vector<26x512xf32>
    %add3A_341 = arith.addf %add3A_311, %log3A_340 : vector<26x512xf32>
    %slice3A_342 = vector.extract_strided_slice %transpose3A {offsets = [192, 0], sizes = [224, 512], strides = [1, 1]} : vector<416x512xf32> to vector<224x512xf32>
    %slice3A_343 = vector.extract_strided_slice %transpose3A {offsets = [0, 0], sizes = [192, 512], strides = [1, 1]} : vector<416x512xf32> to vector<192x512xf32>
    %concatenate3A_344 = tpu.concatenate %slice3A_342, %slice3A_343 in 0 : vector<224x512xf32>, vector<192x512xf32> -> vector<416x512xf32>
    %slice3A_345 = vector.extract_strided_slice %sub3A_16 {offsets = [12, 0], sizes = [14, 512], strides = [1, 1]} : vector<26x512xf32> to vector<14x512xf32>
    %slice3A_346 = vector.extract_strided_slice %sub3A_16 {offsets = [0, 0], sizes = [12, 512], strides = [1, 1]} : vector<26x512xf32> to vector<12x512xf32>
    %concatenate3A_347 = tpu.concatenate %slice3A_345, %slice3A_346 in 0 : vector<14x512xf32>, vector<12x512xf32> -> vector<26x512xf32>
    %reshape3A_348 = vector.shape_cast %concatenate3A_344 : vector<416x512xf32> to vector<26x16x512xf32>
    %sub3A_349 = arith.subf %reshape3A, %reshape3A_348 : vector<26x16x512xf32>
    %mul3A_350 = arith.mulf %sub3A_349, %sub3A_349 : vector<26x16x512xf32>
    %reduce_sum3A_351 = arith.constant dense<0.000000e+00> : vector<26x512xf32>
    %reduce_sum3A_352 = vector.multi_reduction <add>, %mul3A_350, %reduce_sum3A_351 [1] : vector<26x16x512xf32> to vector<26x512xf32>
    %mul3A_353 = arith.mulf %sub3A_16, %concatenate3A_347 : vector<26x512xf32>
    %div3A_354 = arith.divf %reduce_sum3A_352, %mul3A_353 : vector<26x512xf32>
    %mul3A_355 = arith.constant 2.000000e+00 : f32
    %mul3A_356 = vector.broadcast %mul3A_355 : f32 to vector<26x512xf32>
    %mul3A_357 = arith.mulf %div3A_354, %mul3A_356 : vector<26x512xf32>
    %add3A_358 = arith.constant 1.000000e+00 : f32
    %add3A_359 = vector.broadcast %add3A_358 : f32 to vector<26x512xf32>
    %add3A_360 = arith.addf %mul3A_357, %add3A_359 : vector<26x512xf32>
    %mul3A_361 = arith.mulf %add3A_360, %add3A_360 : vector<26x512xf32>
    %sub3A_362 = arith.constant 1.000000e+00 : f32
    %sub3A_363 = vector.broadcast %sub3A_362 : f32 to vector<26x512xf32>
    %sub3A_364 = arith.subf %mul3A_361, %sub3A_363 : vector<26x512xf32>
    %max3A_365 = arith.constant 0.000000e+00 : f32
    %max3A_366 = vector.broadcast %max3A_365 : f32 to vector<26x512xf32>
    %max3A_367 = arith.maximumf %sub3A_364, %max3A_366 : vector<26x512xf32>
    %sqrt3A_368 = math.sqrt %max3A_367 : vector<26x512xf32>
    %add3A_369 = arith.addf %add3A_360, %sqrt3A_368 : vector<26x512xf32>
    %log3A_370 = math.log %add3A_369 : vector<26x512xf32>
    %add3A_371 = arith.addf %add3A_341, %log3A_370 : vector<26x512xf32>
    %slice3A_372 = vector.extract_strided_slice %transpose3A {offsets = [208, 0], sizes = [208, 512], strides = [1, 1]} : vector<416x512xf32> to vector<208x512xf32>
    %slice3A_373 = vector.extract_strided_slice %transpose3A {offsets = [0, 0], sizes = [208, 512], strides = [1, 1]} : vector<416x512xf32> to vector<208x512xf32>
    %concatenate3A_374 = tpu.concatenate %slice3A_372, %slice3A_373 in 0 : vector<208x512xf32>, vector<208x512xf32> -> vector<416x512xf32>
    %slice3A_375 = vector.extract_strided_slice %sub3A_16 {offsets = [13, 0], sizes = [13, 512], strides = [1, 1]} : vector<26x512xf32> to vector<13x512xf32>
    %slice3A_376 = vector.extract_strided_slice %sub3A_16 {offsets = [0, 0], sizes = [13, 512], strides = [1, 1]} : vector<26x512xf32> to vector<13x512xf32>
    %concatenate3A_377 = tpu.concatenate %slice3A_375, %slice3A_376 in 0 : vector<13x512xf32>, vector<13x512xf32> -> vector<26x512xf32>
    %reshape3A_378 = vector.shape_cast %concatenate3A_374 : vector<416x512xf32> to vector<26x16x512xf32>
    %sub3A_379 = arith.subf %reshape3A, %reshape3A_378 : vector<26x16x512xf32>
    %mul3A_380 = arith.mulf %sub3A_379, %sub3A_379 : vector<26x16x512xf32>
    %reduce_sum3A_381 = arith.constant dense<0.000000e+00> : vector<26x512xf32>
    %reduce_sum3A_382 = vector.multi_reduction <add>, %mul3A_380, %reduce_sum3A_381 [1] : vector<26x16x512xf32> to vector<26x512xf32>
    %mul3A_383 = arith.mulf %sub3A_16, %concatenate3A_377 : vector<26x512xf32>
    %div3A_384 = arith.divf %reduce_sum3A_382, %mul3A_383 : vector<26x512xf32>
    %mul3A_385 = arith.constant 2.000000e+00 : f32
    %mul3A_386 = vector.broadcast %mul3A_385 : f32 to vector<26x512xf32>
    %mul3A_387 = arith.mulf %div3A_384, %mul3A_386 : vector<26x512xf32>
    %add3A_388 = arith.constant 1.000000e+00 : f32
    %add3A_389 = vector.broadcast %add3A_388 : f32 to vector<26x512xf32>
    %add3A_390 = arith.addf %mul3A_387, %add3A_389 : vector<26x512xf32>
    %mul3A_391 = arith.mulf %add3A_390, %add3A_390 : vector<26x512xf32>
    %sub3A_392 = arith.constant 1.000000e+00 : f32
    %sub3A_393 = vector.broadcast %sub3A_392 : f32 to vector<26x512xf32>
    %sub3A_394 = arith.subf %mul3A_391, %sub3A_393 : vector<26x512xf32>
    %max3A_395 = arith.constant 0.000000e+00 : f32
    %max3A_396 = vector.broadcast %max3A_395 : f32 to vector<26x512xf32>
    %max3A_397 = arith.maximumf %sub3A_394, %max3A_396 : vector<26x512xf32>
    %sqrt3A_398 = math.sqrt %max3A_397 : vector<26x512xf32>
    %add3A_399 = arith.addf %add3A_390, %sqrt3A_398 : vector<26x512xf32>
    %log3A_400 = math.log %add3A_399 : vector<26x512xf32>
    %mul3A_401 = arith.constant 5.000000e-01 : f32
    %mul3A_402 = vector.broadcast %mul3A_401 : f32 to vector<26x512xf32>
    %mul3A_403 = arith.mulf %mul3A_402, %log3A_400 : vector<26x512xf32>
    %add3A_404 = arith.addf %add3A_371, %mul3A_403 : vector<26x512xf32>
    %reduce_sum3A_405 = arith.constant dense<0.000000e+00> : vector<512xf32>
    %reduce_sum3A_406 = vector.multi_reduction <add>, %add3A_404, %reduce_sum3A_405 [0] : vector<26x512xf32> to vector<512xf32>
    %get3A_407 = arith.constant 0 : index
    %get3A_408 = arith.constant 0 : index
    %get3A_409 = vector.load %arg4[%get3A_407, %get3A_408] : memref<512x26xi32, #tpu.memory_space<vmem>>, vector<512x26xi32>
    %and3A = arith.constant 15 : i32
    %and3A_410 = vector.broadcast %and3A : i32 to vector<512x26xi32>
    %and3A_411 = arith.andi %get3A_409, %and3A_410 : vector<512x26xi32>
    %convert_element_type3A = arith.sitofp %and3A_411 : vector<512x26xi32> to vector<512x26xf32>
    %transpose3A_412 = tpu.transpose %convert_element_type3A, [1, 0] : vector<512x26xf32> -> vector<26x512xf32>
    %get3A_413 = arith.constant 0 : index
    %get3A_414 = arith.constant 0 : index
    %get3A_415 = vector.load %arg3[%get3A_413, %get3A_414] : memref<512x512xf32, #tpu.memory_space<vmem>>, vector<512x416xf32>
    %transpose3A_416 = tpu.transpose %get3A_415, [1, 0] : vector<512x416xf32> -> vector<416x512xf32>
    %reshape3A_417 = vector.shape_cast %transpose3A_416 : vector<416x512xf32> to vector<26x16x512xf32>
    %iota3A = tpu.iota {dimensions = array<i32: 1>} : vector<26x16x512xi32>
    %convert_element_type3A_418 = arith.sitofp %iota3A : vector<26x16x512xi32> to vector<26x16x512xf32>
    %broadcast_in_dim3A_419 = vector.shape_cast %transpose3A_412 : vector<26x512xf32> to vector<26x1x512xf32>
    %eq3A = vector.broadcast %broadcast_in_dim3A_419 : vector<26x1x512xf32> to vector<26x16x512xf32>
    %eq3A_420 = arith.cmpf oeq, %convert_element_type3A_418, %eq3A : vector<26x16x512xf32>
    %jit3A_421 = arith.constant 0.000000e+00 : f32
    %broadcast_in_dim3A_422 = vector.broadcast %jit3A_421 : f32 to vector<26x16x512xf32>
    %select_n3A = arith.select %eq3A_420, %reshape3A_417, %broadcast_in_dim3A_422 : vector<26x16x512xi1>, vector<26x16x512xf32>
    %reduce_sum3A_423 = arith.constant dense<0.000000e+00> : vector<26x512xf32>
    %reduce_sum3A_424 = vector.multi_reduction <add>, %select_n3A, %reduce_sum3A_423 [1] : vector<26x16x512xf32> to vector<26x512xf32>
    %reduce_sum3A_425 = arith.constant dense<0.000000e+00> : vector<512xf32>
    %reduce_sum3A_426 = vector.multi_reduction <add>, %reduce_sum3A_424, %reduce_sum3A_425 [0] : vector<26x512xf32> to vector<512xf32>
    %mul3A_427 = vector.broadcast %get3A_4 : f32 to vector<512xf32>
    %mul3A_428 = arith.mulf %mul3A_427, %reduce_sum3A_406 : vector<512xf32>
    %add3A_429 = arith.addf %mul3A_428, %reduce_sum3A_426 : vector<512xf32>
    %mul3A_430 = arith.constant 3.250000e+02 : f32
    %mul3A_431 = arith.mulf %get3A_7, %mul3A_430 : f32
    %add3A_432 = arith.addf %mul3A_431, %get3A_1 : f32
    %add3A_433 = vector.broadcast %add3A_432 : f32 to vector<512xf32>
    %add3A_434 = arith.addf %add3A_429, %add3A_433 : vector<512xf32>
    %swap3A = arith.constant 0 : index
    %swap3A_435 = vector.load %arg5[%swap3A] : memref<512xf32, #tpu.memory_space<vmem>>, vector<512xf32>
    tpu.vector_store %arg5[%swap3A], %add3A_434 {strides = array<i32>} : memref<512xf32, #tpu.memory_space<vmem>>, vector<512xf32>,
    return
  }
  func.func @transform_0(%arg0: i32) -> (i32, i32) {
    %c0_i32 = arith.constant 0 : i32
    %c0_i32_0 = arith.constant 0 : i32
    %c0_i32_1 = arith.constant 0 : i32
    return %c0_i32, %c0_i32_0 : i32, i32
  }
  func.func @transform_1(%arg0: i32) -> (i32, i32) {
    %c0_i32 = arith.constant 0 : i32
    %c0_i32_0 = arith.constant 0 : i32
    return %arg0, %c0_i32 : i32, i32
  }
  func.func @transform_2(%arg0: i32) -> (i32, i32) {
    %c0_i32 = arith.constant 0 : i32
    %c0_i32_0 = arith.constant 0 : i32
    return %arg0, %c0_i32 : i32, i32
  }
  func.func @transform_3(%arg0: i32) -> (i32, i32) {
    %c0_i32 = arith.constant 0 : i32
    %c0_i32_0 = arith.constant 0 : i32
    return %arg0, %c0_i32 : i32, i32
  }
  func.func @transform_4(%arg0: i32) -> i32 {
    %c0_i32 = arith.constant 0 : i32
    return %arg0 : i32
  }
}

</mosaic_0001>

<sc_bundles>
// kernel: kernel.4.cloned.1.call-start
scs
__scs_entry_jumppad:
0x0: {  	(pc) =	sbr.rel $0x88, $3  }
0x1: {  	(tag) =	ssettag $0x0;
	lr =	simm.s32 $0x1  }
0x2: {  	[smem:$0x3F9B] =	sst lr;
	_ =	strace $0xD0000000  }
0x3: {  	_ = 	snop  }
0x4: {  	_ = 	snop  }
0x5: {  	_ = 	snop  }
0x6: {  	_ = 	snop  }
0x7: {  	_ = 	snop  }
__scs_overlays_trampoline_lowered:
0x8: {  	[smem:$0x3FAA] =	sst s0  }
0x9: {  	[smem:$0x3FAB] =	sst s1  }
0xa: {  	[smem:$0x3FAC] =	sst s2  }
0xb: {  	[smem:$0x3FAD] =	sst s3  }
0xc: {  	[smem:$0x3FAE] =	sst s4  }
0xd: {  	[smem:$0x3FAF] =	sst s5  }
0xe: {  	[smem:$0x3FB0] =	sst s6  }
0xf: {  	[smem:$0x3FB1] =	sst s7  }
0x10: {  	[smem:$0x3FB2] =	sst s8  }
0x11: {  	[smem:$0x3FB3] =	sst s9;
	s0 =	simm.s32 @!p0 $0x0  }
0x12: {  	s1 =	sld [smem:$0x3F99];
	s0 =	simm.s32 @p0 $0x1  }
0x13: {  	[smem:$0x3FB4] =	sst s0;
	s0 =	simm.s32 @!p1 $0x0  }
0x14: {  	s2 =	sld [smem:$0x3F98];
	s0 =	simm.s32 @p1 $0x1  }
0x15: {  	[smem:$0x3FB5] =	sst s0;
	s0 =	simm.s32 @!p2 $0x0  }
0x16: {  	s3 =	sld [smem:$0x3FDB];
	s0 =	simm.s32 @p2 $0x1  }
0x17: {  	s4 =	simm.s32 $0x1BF5;
	[smem:$0x3FB7] =	sst s0  }
0x18: {  	s0 =	sld [smem:$0x3F9A];
	_ =	swait.ge [sflag:s4], $0x0  }
0x19: {  	s7 =	sld [smem:$0x3F9B]  }
0x1a: {  	s8 =	sadd.s32 $0xFFFFE003, lr  }
0x1b: {  	s9 =	sadd.s32 $0xFFFFFEF7, lr;
	s5 =	simm.s32 $0xFFFFFFFF;
	p2 =	slt.u32 s8, $0xFFFFF086  }
0x1c: {  	p1 =	slt.u32 s9, $0xF7A;
	s5 =	simm.s32 @!p2 $0x0  }
0x1d: {  	s5 =	simm.s32 @p1 $0x1;
	p0 =	seq.s32 s7, s2  }
0x1e: {  	s7 =	smul.u32 @!p0 $0xF7A, s2;
	p2 =	seq.s32 @!p0 s5, $0x0  }
0x1f: {  	s9 =	smul.u32 $0xF7A, s1;
	s8 =	simm.s32 @!p0 $0x1BF5;
	p2 =	por !p2, p0  }
0x20: {  	[sflag:s8] =	ssyncset.s32 @!p0 $0xFFFFF086;
	s6 =	sadd.s32 @!p0 s3, s7;
	s7 =	simm.s32 @!p0 $0x108  }
0x21: {  	s3 =	sadd.s32 s3, s9;
	s6 =	sadd.s32 @!p0 $0x88, s6;
	s7 =	simm.s32 @p2 $0x1082  }
0x22: {  	[simem:s7], [sflag:s8] =	dma.local @!p0 [hbm:s6], $0xF7A  }
0x23: {  	s9 =	sor.u32 $0xD0000000, s2;
	s6 =	simm.s32 $0x108;
	_ =	swait.ge @!p0 [sflag:s8], $0x0  }
0x24: {  	s3 =	sadd.s32 $0x88, s3;
	s6 =	simm.s32 @!p1 $0x1082;
	[sflag:s4] =	ssyncset.s32 $0xFFFFF086  }
0x25: {  	[simem:s6], [sflag:s4] =	dma.local [hbm:s3], $0xF7A  }
0x26: {  	[smem:$0x3F9B] =	sst s1;
	(tag) =	ssettag s2;
	_ =	strace s9  }
0x27: {  	s1 =	sld [smem:$0x3FAB]  }
0x28: {  	s2 =	sld [smem:$0x3FAC]  }
0x29: {  	s4 =	sld [smem:$0x3FAE]  }
0x2a: {  	p0 =	seq.s32 s5, $0x0;
	s5 =	sld [smem:$0x3FAF]  }
0x2b: {  	s6 =	sld [smem:$0x3FB0]  }
0x2c: {  	s7 =	sld [smem:$0x3FB1]  }
0x2d: {  	s3 =	simm.s32 $0x108;
	s8 =	sld [smem:$0x3FB2]  }
0x2e: {  	s3 =	simm.s32 @!p0 $0x1082;
	s9 =	sld [smem:$0x3FB3]  }
0x2f: {  	lr =	sadd.s32 s0, s3;
	s0 =	sld [smem:$0x3FAA]  }
0x30: {  	s3 =	sld [smem:$0x3FAD]  }
0x31: {  	[smem:$0x3FB6] =	sst s10  }
0x32: {  	s10 =	sld [smem:$0x3FB4];
	_ =	sdelay $0x3  }
0x33: {  	p0 =	seq.s32 s10, $0x1;
	s10 =	sld [smem:$0x3FB6];
	_ =	sdelay $0x3  }
0x34: {  	[smem:$0x3FB6] =	sst s10  }
0x35: {  	s10 =	sld [smem:$0x3FB5];
	_ =	sdelay $0x3  }
0x36: {  	p1 =	seq.s32 s10, $0x1;
	s10 =	sld [smem:$0x3FB6];
	_ =	sdelay $0x3  }
0x37: {  	[smem:$0x3FB6] =	sst s10  }
0x38: {  	s10 =	sld [smem:$0x3FB7]  }
0x39: {  	_ = 	snop;
	(pc) =	sbr.ind lr, $3  }
0x3a: {  	_ = 	snop  }
0x3b: {  	_ = 	snop  }
0x3c: {  	p2 =	seq.s32 s10, $0x1;
	s10 =	sld [smem:$0x3FB6]  }
0x3d: {  	_ =	shalt  }
0x3e: {  	_ =	shalt  }
0x3f: {  	_ =	shalt  }
0x40: {  	_ =	shalt  }
0x41: {  	_ =	shalt  }
0x42: {  	_ =	shalt  }
0x43: {  	_ =	shalt  }
0x44: {  	_ =	shalt  }
0x45: {  	_ =	shalt  }
0x46: {  	_ =	shalt  }
0x47: {  	_ =	shalt  }
0x48: {  	_ =	shalt  }
0x49: {  	_ =	shalt  }
0x4a: {  	_ =	shalt  }
0x4b: {  	_ =	shalt  }
0x4c: {  	_ =	shalt  }
0x4d: {  	_ =	shalt  }
0x4e: {  	_ =	shalt  }
0x4f: {  	_ =	shalt  }
0x50: {  	_ =	shalt  }
0x51: {  	_ =	shalt  }
0x52: {  	_ =	shalt  }
0x53: {  	_ =	shalt  }
0x54: {  	_ =	shalt  }
0x55: {  	_ =	shalt  }
0x56: {  	_ =	shalt  }
0x57: {  	_ =	shalt  }
0x58: {  	_ =	shalt  }
0x59: {  	_ =	shalt  }
0x5a: {  	_ =	shalt  }
0x5b: {  	_ =	shalt  }
0x5c: {  	_ =	shalt  }
0x5d: {  	_ =	shalt  }
0x5e: {  	_ =	shalt  }
0x5f: {  	_ =	shalt  }
0x60: {  	_ =	shalt  }
0x61: {  	_ =	shalt  }
0x62: {  	_ =	shalt  }
0x63: {  	_ =	shalt  }
0x64: {  	_ =	shalt  }
0x65: {  	_ =	shalt  }
0x66: {  	_ =	shalt  }
0x67: {  	_ =	shalt  }
0x68: {  	_ =	shalt  }
0x69: {  	_ =	shalt  }
0x6a: {  	_ =	shalt  }
0x6b: {  	_ =	shalt  }
0x6c: {  	_ =	shalt  }
0x6d: {  	_ =	shalt  }
0x6e: {  	_ =	shalt  }
0x6f: {  	_ =	shalt  }
0x70: {  	_ =	shalt  }
0x71: {  	_ =	shalt  }
0x72: {  	_ =	shalt  }
0x73: {  	_ =	shalt  }
0x74: {  	_ =	shalt  }
0x75: {  	_ =	shalt  }
0x76: {  	_ =	shalt  }
0x77: {  	_ =	shalt  }
0x78: {  	_ =	shalt  }
0x79: {  	_ =	shalt  }
0x7a: {  	_ =	shalt  }
0x7b: {  	_ =	shalt  }
0x7c: {  	_ =	shalt  }
0x7d: {  	_ =	shalt  }
0x7e: {  	_ =	shalt  }
0x7f: {  	_ =	shalt  }
0x80: {  	_ =	shalt  }
0x81: {  	_ =	shalt  }
0x82: {  	_ =	shalt  }
0x83: {  	_ =	shalt  }
0x84: {  	_ =	shalt  }
0x85: {  	_ =	shalt  }
0x86: {  	_ =	shalt  }
0x87: {  	_ =	shalt  }
.Lfunc_end0:
.L_simem_size_0:
called_computation_lowered:
.L_overlay_start_0:
0x88: {  	s2 =	sld [smem:$0x3FD9]  }
0x89: {  	s3 =	sld [smem:$0x3FFE];
	_ =	sdelay $0x1  }
0x8a: {  	s1 =	srdreg.scid  }
0x8b: {  	s0 =	sand.u32 $0x1, s1  }
0x8c: {  	s16 =	sshll.u32 s0, $0xA;
	s2 =	sadd.s32 s3, s2  }
0x8d: {  	s2 =	sadd.s32 s2, s16  }
0x8e: {  	[smem:$0x3FC2] =	sst s2  }
0x8f: {  	_ = 	snop  }
0x90: {  	(tm) =	ssettm $0x1  }
0x91: {  	s17 =	sld [smem:$0x3FFB];
	_ =	sdelay $0x3  }
0x92: {  	_ =	strace s17  }
0x93: {  	s2 =	sld [smem:$0x3FFC];
	_ =	sdelay $0x3  }
0x94: {  	_ =	strace s2  }
0x95: {  	s2 =	sld [smem:$0x3FFD];
	_ =	sdelay $0x3  }
0x96: {  	_ =	strace s2  }
0x97: {  	_ =	strace $0x8FFFFFFF  }
0x98: {  	s18 =	sld [smem:$0x3FDB];
	_ =	sdelay $0x1  }
0x99: {  	s19 =	simm.s32 $_scs_section_size  }
0x9a: {  	s4 =	simm.s32 $_size__tile_overlayer_lowered;
	s5 =	simm.s32 $_tile_overlayer_lowered  }
0x9b: {  	s22 =	simm.s32 $0x1BFF;
	s21 =	sshll.u32 s5, $0x1;
	s2 =	sadd.s32 s19, s18  }
0x9c: {  	s6 =	simm.s32 $0x0;
	s20 =	sshll.u32 s4, $0x1;
	s4 =	sadd.s32 s21, s2  }
0x9d: {  	[timem:s6], [sflag:s22] =	dma.local [hbm:s4], s20  }
0x9e: {  	_ =	swait.ge [sflag:s22], s20  }
0x9f: {  	s3 =	ssub.s32 $0x0, s20;
	[sflag:s22] =	ssyncset.done $0x0  }
0xa0: {  	[sflag:s22] =	ssyncadd.s32 s3;
	_ =	sdelay $0x1  }
0xa1: {  	s23 =	simm.s32 $0x1B8B  }
0xa2: {  	_ =	swait.ge [sflag:s23], $0x1  }
0xa3: {  	[sflag:s23] =	ssyncset.done $0x0  }
0xa4: {  	s25 =	simm.s32 $0x1B8E;
	s24 =	sld [smem:$0x3FFE];
	[sflag:s23] =	ssyncadd.s32 $0xFFFFFFFF  }
0xa5: {  	s26 =	simm.s32 $execute0_lowered;
	[smem:$0x3FD2] =	sst s25  }
0xa6: {  	s4 =	sshll.u32 s26, $0x1;
	_ =	strace $0x80000046;
	[dreg:$0x1] =	wrdreg $0xFFFFFFFF  }
0xa7: {  	s28 =	simm.s32 $_size_execute0_lowered;
	s2 =	sadd.s32 s2, s4;
	[dreg:$0x0] =	wrdreg $0x0  }
0xa8: {  	s4 =	sshll.u32 s28, $0x1;
	[dreg:$0x2] =	wrdreg s2  }
0xa9: {  	[dreg:$0x3] =	wrdreg s4  }
0xaa: {  	[dreg:$0x4] =	wrdreg $0xC0  }
0xab: {  	_ =	task [dreg:s6], $0x5FFFF  }
0xac: {  	[dreg:$0x1] =	wrdreg $0xFFFFFFFF  }
0xad: {  	[dreg:$0x0] =	wrdreg $0x60  }
0xae: {  	[dreg:$0x2] =	wrdreg s24  }
0xaf: {  	[dreg:$0x3] =	wrdreg $0x9  }
0xb0: {  	_ =	task.clear_ibuf [dreg:s6], $0x4FFFF;
	_ =	strace $0x90000046  }
0xb1: {  	s29 =	simm.s32 $0x9;
	_ =	strace $0x80000048  }
0xb2: {  	_ =	swait.ge [sflag:s29], $0x1  }
0xb3: {  	[sflag:s29] =	ssyncadd.s32 $0xFFFFFFFF  }
0xb4: {  	_ =	strace $0x90000048  }
0xb5: {  	_ =	sfence  }
0xb6: {  	s30 =	sld [smem:$0x0];
	_ =	sdelay $0x2  }
0xb7: {  	s31 =	sshll.u32 s1, $0xD;
	s1 =	sshrl.u32 s1, $0x2  }
0xb8: {  	s3 =	sand.u32 $0x4000, s31;
	s1 =	sadd.s32 s1, s30  }
0xb9: {  	s0 =	sor.u32 s3, s0;
	s1 =	sshll.u32 s1, $0x11  }
0xba: {  	s0 =	sor.u32 s1, s0  }
0xbb: {  	s0 =	sadd.s32 $0x8F2B, s0  }
0xbc: {  	[sflag:s0] =	ssyncadd.remote.s32 $0x1  }
0xbd: {  	_ =	sfence.sel $0xFFFF  }
0xbe: {  	[dreg:$0x0] =	wrdreg $0xFFFFFFFF;
	(pc) =	sbr.abs _section_cstart, $3  }
0xbf: {  	[dreg:$0x1] =	wrdreg $0xFFFFFFFF  }
0xc0: {  	_ =	task.clear_ibuf [dreg:s6], $0x2FFFF;
	_ =	strace $0x9FFFFFFF  }
0xc1: {  	(tm) =	ssettm $0x7FFFFFFF  }
tec
execute0_lowered:
.L_overlay_start_1:
0x0: {  	(tag) =	ssettag $0x1  }
0x1: {  	s1 =	srdreg.scid  }
0x2: {  	s0 =	stileid.u32;
	s6 =	rddreg [dreg:$0x0];
	s2 =	simm.s32 $0x0  }
0x3: {  	s11 =	simm.s32 $0x2;
	s12 =	simm.s32 $0x10;
	s13 =	simm.s32 $0x200  }
0x4: {  	s5 =	sand.u32 $0x1, s1;
	s29 =	sshll.u32 s0, $0x1;
	s1 =	rddreg [dreg:$0x1]  }
0x5: {  	s14 =	simm.s32 $0x0;
	[smem:$0x7FF] =	sst s2;
	s3 =	sor.u32 s5, s29  }
0x6: {  	s4 =	sadd.s32 $0x3E00, s6;
	s8 =	sshll.u32 s0, $0xE;
	s3 =	smul.u32 $0x1A0, s3  }
0x7: {  	_ =	strace $0x80000047;
	s9 =	ssub.s32 $0x2, s5;
	s10 =	sshll.u32 s5, $0xD  }
0x8: {  	s30 =	sshrl.u32 s9, $0x1;
	s7 =	sadd.s32 s3, s6;
	s3 =	sadd.s32 $0xF42E00, s6  }
0x9: {  	s6 =	sadd.s32 s8, s6;
	s8 =	ssub.s32 s9, s30;
	s9 =	simm.s32 $0x3  }
0xa: {  	s5 =	sadd.s32 $0xA00, s7;
	s31 =	sadd.s32 s10, s6;
	s6 =	smax.u32 s8, $0x1  }
0xb: {  	s10 =	simm.s32 $0x80;
	s7 =	sadd.s32 $0x22800, s31;
	s8 =	sadd.s32 $0x62800, s31  }
.LBB2_1:
0xc: {  	[tilespmem:s2], [sflag:$0x3] =	stream.linear.gather [hbm4b:s5+s2], $0xD00, $0x38;
	[tilespmem:$0x1BA00] =	vst v63  }
0xd: {  	_ =	swait.ge [sflag:s9], $0xD00  }
0xe: {  	[sflag:s9] =	ssyncset.done $0x0  }
0xf: {  	s16 =	simm.s32 $0x0;
	[sflag:s9] =	ssyncadd.s32 $0xFFFFF300  }
0x10: {  	v1 =	vld [tilespmem:s16+$0x70]  }
0x11: {  	v4 =	vld [tilespmem:s16+$0x0]  }
0x12: {  	v5 =	vld [tilespmem:s16+$0x10]  }
0x13: {  	v3 =	vld [tilespmem:s16+$0x20]  }
0x14: {  	v2 =	vld [tilespmem:s16+$0x30]  }
0x15: {  	v0 =	vld [tilespmem:s16+$0x40];
	v6 =	vshrl.u32 v1, $0x4  }
0x16: {  	v1 =	vld [tilespmem:s16+$0x50];
	v4 =	vshrl.u32 v4, $0x4;
	[tilespmem:s16+$0xD70] =	vst v6  }
0x17: {  	s15 =	simm.s32 $0x80;
	s17 =	simm.s32 $0x400;
	v5 =	vshrl.u32 v5, $0x4;
	[tilespmem:s16+$0xD00] =	vst v4;
	v4 =	vld [tilespmem:s16+$0x60]  }
.LBB2_2:
0x18: {  	p0 =	sne.s32 s17, $0x3200;
	v6 =	vld [tilespmem:s15+$0x70];
	[tilespmem:s16+$0xD10] =	vst v5;
	v3 =	vshrl.u32 v3, $0x4  }
0x19: {  	v5 =	vld [tilespmem:s15+$0x0];
	[tilespmem:s16+$0xD20] =	vst v3;
	v2 =	vshrl.u32 v2, $0x4  }
0x1a: {  	v7 =	vld [tilespmem:s15+$0x10];
	[tilespmem:s16+$0xD30] =	vst v2;
	v0 =	vshrl.u32 v0, $0x4  }
.Ltmp0:
0x1b: {  	v3 =	vld [tilespmem:s15+$0x20];
	[tilespmem:s16+$0xD40] =	vst v0;
	v0 =	vshrl.u32 v1, $0x4;
	(pc) =	sbr.rel @p0 .LBB2_2-.Ltmp0, $4  }
0x1c: {  	v2 =	vld [tilespmem:s15+$0x30];
	[tilespmem:s16+$0xD50] =	vst v0;
	v1 =	vshrl.u32 v4, $0x4  }
0x1d: {  	v0 =	vld [tilespmem:s15+$0x40];
	v4 =	vshrl.u32 v6, $0x4;
	[tilespmem:s16+$0xD60] =	vst v1;
	s16 =	smov.u32 s15  }
0x1e: {  	v5 =	vshrl.u32 v5, $0x4;
	v1 =	vld [tilespmem:s16+$0x50];
	[tilespmem:s16+$0xD70] =	vst v4  }
0x1f: {  	s15 =	sshra.s32 s17, $0x2;
	s17 =	sadd.s32 $0x200, s17;
	[tilespmem:s16+$0xD00] =	vst v5;
	v5 =	vshrl.u32 v7, $0x4;
	v4 =	vld [tilespmem:s16+$0x60]  }
0x20: {  	v6 =	vld [tilespmem:s15+$0x70];
	[tilespmem:s16+$0xD10] =	vst v5;
	v3 =	vshrl.u32 v3, $0x4  }
0x21: {  	v5 =	vld [tilespmem:s15+$0x0];
	[tilespmem:s16+$0xD20] =	vst v3;
	v2 =	vshrl.u32 v2, $0x4  }
0x22: {  	v3 =	vld [tilespmem:s15+$0x10];
	[tilespmem:s16+$0xD30] =	vst v2;
	v0 =	vshrl.u32 v0, $0x4  }
0x23: {  	v2 =	vld [tilespmem:s15+$0x20];
	[tilespmem:s16+$0xD40] =	vst v0;
	v51 =	vshrl.u32 v1, $0x4  }
0x24: {  	v52 =	vld [tilespmem:s15+$0x30];
	[tilespmem:s16+$0xD50] =	vst v51;
	v53 =	vshrl.u32 v4, $0x4  }
0x25: {  	v54 =	vld [tilespmem:s15+$0x40];
	[tilespmem:s16+$0xD60] =	vst v53;
	v55 =	vshrl.u32 v6, $0x4  }
0x26: {  	v56 =	vld [tilespmem:s15+$0x50];
	v5 =	vshrl.u32 v5, $0x4;
	[tilespmem:s15+$0xD70] =	vst v55  }
0x27: {  	v58 =	vld [tilespmem:s15+$0x60];
	[tilespmem:s15+$0xD00] =	vst v5;
	v57 =	vshrl.u32 v3, $0x4  }
0x28: {  	[tilespmem:s15+$0xD10] =	vst v57;
	v59 =	vshrl.u32 v2, $0x4  }
0x29: {  	[tilespmem:s15+$0xD20] =	vst v59;
	v60 =	vshrl.u32 v52, $0x4  }
0x2a: {  	[tilespmem:s15+$0xD30] =	vst v60;
	v61 =	vshrl.u32 v54, $0x4  }
0x2b: {  	[tilespmem:s15+$0xD40] =	vst v61;
	v62 =	vshrl.u32 v56, $0x4  }
0x2c: {  	v63 =	vshrl.u32 v58, $0x4;
	[tilespmem:s15+$0xD50] =	vst v62  }
0x2d: {  	p0 =	por $0x1, $0x1;
	[tilespmem:s15+$0xD60] =	vst v63;
	s15 =	simm.s32 $0x0  }
.LBB2_4:
0x2e: {  	s16 =	smul.u32 $0x6800, s15  }
0x2f: {  	s15 =	smul.u32 $0x680, s15;
	_ =	sdelay $0x1  }
0x30: {  	s17 =	sadd.s32 $0x1A00, s16;
	s24 =	sadd.s32 $0x80, s15  }
0x31: {  	[tilespmem:s17], [sflag:$0x1] =	stream.indirect.gather [hbm4b:s3+s10], $0x10, s15, s10, $0xb8;
	[tilespmem:$0x1BA00] =	vst v63  }
0x32: {  	s16 =	sadd.s32 $0xEA00, s16;
	s23 =	sadd.s32 $0xD00, s15;
	s25 =	sshll.u32 s24, $0x4  }
0x33: {  	[tilespmem:s16], [sflag:$0x2] =	stream.indirect.gather [hbm4b:s4+s10], $0x10, s23, s10, $0xb8;
	[tilespmem:$0x1BA00] =	vst v63  }
0x34: {  	s29 =	sadd.s32 $0x100, s15;
	s18 =	sadd.s32 $0x1A00, s25  }
0x35: {  	[tilespmem:s18], [sflag:$0x1] =	stream.indirect.gather [hbm4b:s3+s10], $0x10, s24, s10, $0xb8;
	[tilespmem:$0x1BA00] =	vst v63  }
0x36: {  	s28 =	sadd.s32 $0xD80, s15;
	s30 =	sshll.u32 s29, $0x4;
	s26 =	sadd.s32 $0xEA00, s25  }
0x37: {  	[tilespmem:s26], [sflag:$0x2] =	stream.indirect.gather [hbm4b:s4+s10], $0x10, s28, s10, $0xb8;
	[tilespmem:$0x1BA00] =	vst v63  }
0x38: {  	s21 =	sadd.s32 $0x180, s15;
	s31 =	sadd.s32 $0x1A00, s30  }
0x39: {  	[tilespmem:s31], [sflag:$0x1] =	stream.indirect.gather [hbm4b:s3+s10], $0x10, s29, s10, $0xb8;
	[tilespmem:$0x1BA00] =	vst v63  }
0x3a: {  	s20 =	sadd.s32 $0xE00, s15;
	s22 =	sshll.u32 s21, $0x4;
	s19 =	sadd.s32 $0xEA00, s30  }
0x3b: {  	[tilespmem:s19], [sflag:$0x2] =	stream.indirect.gather [hbm4b:s4+s10], $0x10, s20, s10, $0xb8;
	[tilespmem:$0x1BA00] =	vst v63  }
0x3c: {  	s23 =	sadd.s32 $0x1A00, s22;
	s26 =	sadd.s32 $0x200, s15  }
0x3d: {  	[tilespmem:s23], [sflag:$0x1] =	stream.indirect.gather [hbm4b:s3+s10], $0x10, s21, s10, $0xb8;
	[tilespmem:$0x1BA00] =	vst v63  }
0x3e: {  	s25 =	sadd.s32 $0xE80, s15;
	s24 =	sadd.s32 $0xEA00, s22;
	s28 =	sshll.u32 s26, $0x4  }
0x3f: {  	[tilespmem:s24], [sflag:$0x2] =	stream.indirect.gather [hbm4b:s4+s10], $0x10, s25, s10, $0xb8;
	[tilespmem:$0x1BA00] =	vst v63  }
0x40: {  	s18 =	sadd.s32 $0x280, s15;
	s29 =	sadd.s32 $0x1A00, s28  }
0x41: {  	[tilespmem:s29], [sflag:$0x1] =	stream.indirect.gather [hbm4b:s3+s10], $0x10, s26, s10, $0xb8;
	[tilespmem:$0x1BA00] =	vst v63  }
0x42: {  	s30 =	sadd.s32 $0xEA00, s28;
	s31 =	sadd.s32 $0xF00, s15;
	s19 =	sshll.u32 s18, $0x4  }
0x43: {  	[tilespmem:s30], [sflag:$0x2] =	stream.indirect.gather [hbm4b:s4+s10], $0x10, s31, s10, $0xb8;
	[tilespmem:$0x1BA00] =	vst v63  }
0x44: {  	s20 =	sadd.s32 $0x1A00, s19;
	s23 =	sadd.s32 $0x300, s15  }
0x45: {  	[tilespmem:s20], [sflag:$0x1] =	stream.indirect.gather [hbm4b:s3+s10], $0x10, s18, s10, $0xb8;
	[tilespmem:$0x1BA00] =	vst v63  }
0x46: {  	s22 =	sadd.s32 $0xF80, s15;
	s21 =	sadd.s32 $0xEA00, s19;
	s24 =	sshll.u32 s23, $0x4  }
0x47: {  	[tilespmem:s21], [sflag:$0x2] =	stream.indirect.gather [hbm4b:s4+s10], $0x10, s22, s10, $0xb8;
	[tilespmem:$0x1BA00] =	vst v63  }
0x48: {  	s25 =	sadd.s32 $0x1A00, s24;
	s29 =	sadd.s32 $0x380, s15  }
0x49: {  	[tilespmem:s25], [sflag:$0x1] =	stream.indirect.gather [hbm4b:s3+s10], $0x10, s23, s10, $0xb8;
	[tilespmem:$0x1BA00] =	vst v63  }
0x4a: {  	s28 =	sadd.s32 $0x1000, s15;
	s26 =	sadd.s32 $0xEA00, s24;
	s30 =	sshll.u32 s29, $0x4  }
0x4b: {  	[tilespmem:s26], [sflag:$0x2] =	stream.indirect.gather [hbm4b:s4+s10], $0x10, s28, s10, $0xb8;
	[tilespmem:$0x1BA00] =	vst v63  }
0x4c: {  	s19 =	sadd.s32 $0x400, s15;
	s31 =	sadd.s32 $0x1A00, s30  }
0x4d: {  	[tilespmem:s31], [sflag:$0x1] =	stream.indirect.gather [hbm4b:s3+s10], $0x10, s29, s10, $0xb8;
	[tilespmem:$0x1BA00] =	vst v63  }
0x4e: {  	s17 =	sadd.s32 $0xEA00, s30;
	s18 =	sadd.s32 $0x1080, s15;
	s20 =	sshll.u32 s19, $0x4  }
0x4f: {  	[tilespmem:s17], [sflag:$0x2] =	stream.indirect.gather [hbm4b:s4+s10], $0x10, s18, s10, $0xb8;
	[tilespmem:$0x1BA00] =	vst v63  }
0x50: {  	s24 =	sadd.s32 $0x480, s15;
	s21 =	sadd.s32 $0x1A00, s20  }
0x51: {  	[tilespmem:s21], [sflag:$0x1] =	stream.indirect.gather [hbm4b:s3+s10], $0x10, s19, s10, $0xb8;
	[tilespmem:$0x1BA00] =	vst v63  }
0x52: {  	s22 =	sadd.s32 $0xEA00, s20;
	s23 =	sadd.s32 $0x1100, s15;
	s25 =	sshll.u32 s24, $0x4  }
0x53: {  	[tilespmem:s22], [sflag:$0x2] =	stream.indirect.gather [hbm4b:s4+s10], $0x10, s23, s10, $0xb8;
	[tilespmem:$0x1BA00] =	vst v63  }
0x54: {  	s30 =	sadd.s32 $0x500, s15;
	s26 =	sadd.s32 $0x1A00, s25  }
0x55: {  	[tilespmem:s26], [sflag:$0x1] =	stream.indirect.gather [hbm4b:s3+s10], $0x10, s24, s10, $0xb8;
	[tilespmem:$0x1BA00] =	vst v63  }
0x56: {  	s28 =	sadd.s32 $0xEA00, s25;
	s29 =	sadd.s32 $0x1180, s15;
	s31 =	sshll.u32 s30, $0x4  }
0x57: {  	[tilespmem:s28], [sflag:$0x2] =	stream.indirect.gather [hbm4b:s4+s10], $0x10, s29, s10, $0xb8;
	[tilespmem:$0x1BA00] =	vst v63  }
0x58: {  	s19 =	sadd.s32 $0x1A00, s31;
	s22 =	sadd.s32 $0x580, s15  }
0x59: {  	[tilespmem:s19], [sflag:$0x1] =	stream.indirect.gather [hbm4b:s3+s10], $0x10, s30, s10, $0xb8;
	[tilespmem:$0x1BA00] =	vst v63  }
0x5a: {  	s20 =	sadd.s32 $0xEA00, s31;
	s21 =	sadd.s32 $0x1200, s15;
	s23 =	sshll.u32 s22, $0x4  }
0x5b: {  	[tilespmem:s20], [sflag:$0x2] =	stream.indirect.gather [hbm4b:s4+s10], $0x10, s21, s10, $0xb8;
	[tilespmem:$0x1BA00] =	vst v63  }
0x5c: {  	s24 =	sadd.s32 $0x1A00, s23;
	s28 =	sadd.s32 $0x600, s15  }
0x5d: {  	[tilespmem:s24], [sflag:$0x1] =	stream.indirect.gather [hbm4b:s3+s10], $0x10, s22, s10, $0xb8;
	[tilespmem:$0x1BA00] =	vst v63  }
0x5e: {  	s25 =	sadd.s32 $0xEA00, s23;
	s26 =	sadd.s32 $0x1280, s15;
	s29 =	sshll.u32 s28, $0x4  }
0x5f: {  	[tilespmem:s25], [sflag:$0x2] =	stream.indirect.gather [hbm4b:s4+s10], $0x10, s26, s10, $0xb8;
	[tilespmem:$0x1BA00] =	vst v63  }
0x60: {  	s30 =	sadd.s32 $0x1A00, s29  }
0x61: {  	[tilespmem:s30], [sflag:$0x1] =	stream.indirect.gather [hbm4b:s3+s10], $0x10, s28, s10, $0xb8;
	[tilespmem:$0x1BA00] =	vst v63  }
0x62: {  	s15 =	sadd.s32 $0x1300, s15;
	s31 =	sadd.s32 $0xEA00, s29  }
0x63: {  	[tilespmem:s31], [sflag:$0x2] =	stream.indirect.gather [hbm4b:s4+s10], $0x10, s15, s10, $0xb8;
	[tilespmem:$0x1BA00] =	vst v63  }
0x64: {  	s15 =	simm.s32 $0x1  }
0x65: {  	_ =	swait.ge [sflag:s15], $0x800  }
0x66: {  	[sflag:s15] =	ssyncset.done $0x0  }
0x67: {  	[sflag:s15] =	ssyncadd.s32 $0xFFFFF800  }
0x68: {  	_ =	swait.ge [sflag:s11], $0x800  }
0x69: {  	[sflag:s11] =	ssyncset.done $0x0  }
0x6a: {  	[sflag:s11] =	ssyncadd.s32 $0xFFFFF800  }
0x6b: {  	_ =	swait.ge [sflag:s15], $0x800  }
0x6c: {  	[sflag:s15] =	ssyncset.done $0x0  }
0x6d: {  	[sflag:s15] =	ssyncadd.s32 $0xFFFFF800  }
0x6e: {  	_ =	swait.ge [sflag:s11], $0x800  }
0x6f: {  	[sflag:s11] =	ssyncset.done $0x0  }
0x70: {  	[sflag:s11] =	ssyncadd.s32 $0xFFFFF800  }
0x71: {  	_ =	swait.ge [sflag:s15], $0x800  }
0x72: {  	[sflag:s15] =	ssyncset.done $0x0  }
0x73: {  	[sflag:s15] =	ssyncadd.s32 $0xFFFFF800  }
0x74: {  	_ =	swait.ge [sflag:s11], $0x800  }
0x75: {  	[sflag:s11] =	ssyncset.done $0x0  }
0x76: {  	[sflag:s11] =	ssyncadd.s32 $0xFFFFF800  }
0x77: {  	_ =	swait.ge [sflag:s15], $0x800  }
0x78: {  	[sflag:s15] =	ssyncset.done $0x0  }
0x79: {  	[sflag:s15] =	ssyncadd.s32 $0xFFFFF800  }
0x7a: {  	_ =	swait.ge [sflag:s11], $0x800  }
0x7b: {  	[sflag:s11] =	ssyncset.done $0x0  }
0x7c: {  	[sflag:s11] =	ssyncadd.s32 $0xFFFFF800  }
0x7d: {  	_ =	swait.ge [sflag:s15], $0x800  }
0x7e: {  	[sflag:s15] =	ssyncset.done $0x0  }
0x7f: {  	[sflag:s15] =	ssyncadd.s32 $0xFFFFF800  }
0x80: {  	_ =	swait.ge [sflag:s11], $0x800  }
0x81: {  	[sflag:s11] =	ssyncset.done $0x0  }
0x82: {  	[sflag:s11] =	ssyncadd.s32 $0xFFFFF800  }
0x83: {  	_ =	swait.ge [sflag:s15], $0x800  }
0x84: {  	[sflag:s15] =	ssyncset.done $0x0  }
0x85: {  	[sflag:s15] =	ssyncadd.s32 $0xFFFFF800  }
0x86: {  	_ =	swait.ge [sflag:s11], $0x800  }
0x87: {  	[sflag:s11] =	ssyncset.done $0x0  }
0x88: {  	[sflag:s11] =	ssyncadd.s32 $0xFFFFF800  }
0x89: {  	_ =	swait.ge [sflag:s15], $0x800  }
0x8a: {  	[sflag:s15] =	ssyncset.done $0x0  }
0x8b: {  	[sflag:s15] =	ssyncadd.s32 $0xFFFFF800  }
0x8c: {  	_ =	swait.ge [sflag:s11], $0x800  }
0x8d: {  	[sflag:s11] =	ssyncset.done $0x0  }
0x8e: {  	[sflag:s11] =	ssyncadd.s32 $0xFFFFF800  }
0x8f: {  	_ =	swait.ge [sflag:s15], $0x800  }
0x90: {  	[sflag:s15] =	ssyncset.done $0x0  }
0x91: {  	[sflag:s15] =	ssyncadd.s32 $0xFFFFF800  }
0x92: {  	_ =	swait.ge [sflag:s11], $0x800  }
0x93: {  	[sflag:s11] =	ssyncset.done $0x0  }
0x94: {  	[sflag:s11] =	ssyncadd.s32 $0xFFFFF800  }
0x95: {  	_ =	swait.ge [sflag:s15], $0x800  }
0x96: {  	[sflag:s15] =	ssyncset.done $0x0  }
0x97: {  	[sflag:s15] =	ssyncadd.s32 $0xFFFFF800  }
0x98: {  	_ =	swait.ge [sflag:s11], $0x800  }
0x99: {  	[sflag:s11] =	ssyncset.done $0x0  }
0x9a: {  	[sflag:s11] =	ssyncadd.s32 $0xFFFFF800  }
0x9b: {  	_ =	swait.ge [sflag:s15], $0x800  }
0x9c: {  	[sflag:s15] =	ssyncset.done $0x0  }
0x9d: {  	[sflag:s15] =	ssyncadd.s32 $0xFFFFF800  }
0x9e: {  	_ =	swait.ge [sflag:s11], $0x800  }
0x9f: {  	[sflag:s11] =	ssyncset.done $0x0  }
0xa0: {  	[sflag:s11] =	ssyncadd.s32 $0xFFFFF800  }
0xa1: {  	_ =	swait.ge [sflag:s15], $0x800  }
0xa2: {  	[sflag:s15] =	ssyncset.done $0x0  }
0xa3: {  	[sflag:s15] =	ssyncadd.s32 $0xFFFFF800  }
0xa4: {  	_ =	swait.ge [sflag:s11], $0x800  }
0xa5: {  	[sflag:s11] =	ssyncset.done $0x0  }
0xa6: {  	[sflag:s11] =	ssyncadd.s32 $0xFFFFF800  }
0xa7: {  	_ =	swait.ge [sflag:s15], $0x800  }
0xa8: {  	[sflag:s15] =	ssyncset.done $0x0  }
0xa9: {  	[sflag:s15] =	ssyncadd.s32 $0xFFFFF800  }
0xaa: {  	_ =	swait.ge [sflag:s11], $0x800  }
0xab: {  	[sflag:s11] =	ssyncset.done $0x0  }
0xac: {  	[sflag:s11] =	ssyncadd.s32 $0xFFFFF800  }
0xad: {  	p1 =	por p0, p0;
	_ =	swait.ge [sflag:s15], $0x800  }
.Ltmp1:
0xae: {  	[sflag:s15] =	ssyncset.done $0x0;
	(pc) =	sbr.rel @p1 .LBB2_4-.Ltmp1, $4  }
0xaf: {  	[sflag:s15] =	ssyncadd.s32 $0xFFFFF800  }
0xb0: {  	_ =	swait.ge [sflag:s11], $0x800  }
0xb1: {  	p0 =	por $0x0, $0x0;
	[sflag:s11] =	ssyncset.done $0x0  }
0xb2: {  	s16 =	simm.s32 $0xEA00;
	s17 =	simm.s32 $0x1A00;
	[sflag:s11] =	ssyncadd.s32 $0xFFFFF800  }
0xb3: {  	s15 =	sadd.s32 $0x0, s8  }
0xb4: {  	[hbm4b:s15+s12] =	stream.strided.scatter [tilespmem:s17], [sflag:$0x3], $0x800, s13, s12, $0x38;
	[tilespmem:$0x1BA00] =	vst v63  }
0xb5: {  	_ =	swait.ge [sflag:s9], $0x800  }
0xb6: {  	[sflag:s9] =	ssyncset.done $0x0  }
0xb7: {  	s31 =	sadd.s32 $0x0, s7;
	[sflag:s9] =	ssyncadd.s32 $0xFFFFF800  }
0xb8: {  	[hbm4b:s31+s12] =	stream.strided.scatter [tilespmem:s16], [sflag:$0x3], $0x800, s13, s12, $0x38;
	[tilespmem:$0x1BA00] =	vst v63  }
0xb9: {  	s18 =	simm.s32 $0x4;
	s15 =	simm.s32 $0x2;
	_ =	swait.ge [sflag:s9], $0x800  }
0xba: {  	s17 =	simm.s32 $0x2200;
	s16 =	simm.s32 $0xF200;
	[sflag:s9] =	ssyncset.done $0x0  }
.LBB2_6:
0xbb: {  	s19 =	sadd.s32 s15, s8  }
0xbc: {  	[sflag:s9] =	ssyncadd.s32 $0xFFFFF800;
	s20 =	smov.u32 s18;
	s21 =	sadd.s32 $0x2, s18  }
0xbd: {  	[hbm4b:s19+s12] =	stream.strided.scatter [tilespmem:s17], [sflag:$0x3], $0x800, s13, s12, $0x38;
	[tilespmem:$0x1BA00] =	vst v63  }
0xbe: {  	p0 =	sne.s32 s18, $0x32;
	_ =	swait.ge [sflag:s9], $0x800  }
.Ltmp2:
0xbf: {  	[sflag:s9] =	ssyncset.done $0x0;
	(pc) =	sbr.rel @p0 .LBB2_6-.Ltmp2, $4  }
0xc0: {  	s18 =	sadd.s32 s15, s7;
	s15 =	smov.u32 s20;
	[sflag:s9] =	ssyncadd.s32 $0xFFFFF800  }
0xc1: {  	[hbm4b:s18+s12] =	stream.strided.scatter [tilespmem:s16], [sflag:$0x3], $0x800, s13, s12, $0x38;
	[tilespmem:$0x1BA00] =	vst v63  }
0xc2: {  	s17 =	sadd.s32 $0x800, s17;
	_ =	swait.ge [sflag:s9], $0x800  }
0xc3: {  	s16 =	sadd.s32 $0x800, s16;
	s18 =	smov.u32 s21;
	[sflag:s9] =	ssyncset.done $0x0  }
0xc4: {  	s18 =	sadd.s32 s15, s8;
	[sflag:s9] =	ssyncadd.s32 $0xFFFFF800  }
0xc5: {  	[hbm4b:s18+s12] =	stream.strided.scatter [tilespmem:s17], [sflag:$0x3], $0x800, s13, s12, $0x38;
	[tilespmem:$0x1BA00] =	vst v63  }
0xc6: {  	s14 =	sadd.s32 $0x1, s14;
	_ =	swait.ge [sflag:s9], $0x800  }
0xc7: {  	p0 =	sne.s32 s14, s6;
	[sflag:s9] =	ssyncset.done $0x0  }
.Ltmp3:
0xc8: {  	s31 =	sadd.s32 s15, s7;
	[sflag:s9] =	ssyncadd.s32 $0xFFFFF800;
	(pc) =	sbr.rel @p0 .LBB2_1-.Ltmp3, $4  }
0xc9: {  	[hbm4b:s31+s12] =	stream.strided.scatter [tilespmem:s16], [sflag:$0x3], $0x800, s13, s12, $0x38;
	[tilespmem:$0x1BA00] =	vst v63  }
0xca: {  	_ =	swait.ge [sflag:s9], $0x800  }
0xcb: {  	[sflag:s9] =	ssyncset.done $0x0  }
0xcc: {  	[sflag:s9] =	ssyncadd.s32 $0xFFFFF800  }
0xcd: {  	_ =	sfence.sel $0x180000  }
0xce: {  	[bflag:$0x0] =	sbarrier.arrive $0xFFFF  }
0xcf: {  	p0 =	sne.s32 s0, $0x0;
	_ =	strace $0x90000047  }
0xd0: {  	s0 =	sadd.s32 @!p0 $0x100000, s1;
	[bflag:$0x2] =	sbarrier.arrive $0xFFFF  }
0xd1: {  	[sflag:s0] =	ssyncadd.tile.s32 @!p0 $0x1;
	_ =	shalt  }
.Lfunc_end2:
_tile_overlayer_lowered:
.L_overlay_start_2:
0xd2: {  	(tag) =	ssettag $0x2  }
0xd3: {  	s0 =	rddreg [dreg:$0x0];
	s2 =	stileid.u32  }
0xd4: {  	s1 =	rddreg [dreg:$0x1];
	p0 =	sne.s32 s2, $0x0  }
0xd5: {  	s3 =	rddreg [dreg:$0x2];
	[bflag:$0x3] =	sbarrier.arrive $0xFFFF;
	s2 =	simm.s32 @!p0 $0x1C03  }
0xd6: {  	[timem:s3], [sflag:s2] =	dma.local @!p0 [hbm:s0], s1  }
0xd7: {  	s0 =	simm.s32 @!p0 $0x3  }
0xd8: {  	_ =	swait.ge @!p0 [sflag:s0], s1  }
0xd9: {  	s1 =	ssub.s32 @!p0 $0x0, s1;
	[sflag:s0] =	ssyncset.done @!p0 $0x0  }
0xda: {  	[sflag:s0] =	ssyncadd.s32 @!p0 s1  }
0xdb: {  	[bflag:$0x3] =	sbarrier.arrive $0xFFFF  }
0xdc: {  	_ =	shalt  }

</sc_bundles>
